<compile_context>
chip_gen: v7x
topology: tpu7x:2x2x1
jax: 0.10.2.dev20260603
libtpu: 0.0.44.dev20260713+nightly
codegen_flags: <defaults>
</compile_context>

<pallas_src>
import functools

import numpy as np

import jax
import jax.numpy as jnp
from jax import lax
from jax.experimental import pallas as pl
from jax.experimental.pallas import tpu as pltpu
from jax.experimental.pallas import tpu_sc as plsc

_MASK_RATE = 0.1


def _rotl32(x, d):
    return ((x << np.uint32(d)) | (x >> np.uint32(32 - d))).astype(np.uint32)


def _threefry2x32(k1, k2, x0, x1):
    x0 = np.asarray(x0, np.uint32).copy()
    x1 = np.asarray(x1, np.uint32).copy()
    ks = [np.uint32(k1), np.uint32(k2),
          np.uint32(np.uint32(k1) ^ np.uint32(k2) ^ np.uint32(0x1BD11BDA))]
    rot = [[13, 15, 26, 6], [17, 29, 16, 24]]
    x0 = (x0 + ks[0]).astype(np.uint32)
    x1 = (x1 + ks[1]).astype(np.uint32)
    for i in range(5):
        for r in rot[i % 2]:
            x0 = (x0 + x1).astype(np.uint32)
            x1 = _rotl32(x1, r)
            x1 = (x1 ^ x0).astype(np.uint32)
        x0 = (x0 + ks[(i + 1) % 3]).astype(np.uint32)
        x1 = (x1 + ks[(i + 2) % 3] + np.uint32(i + 1)).astype(np.uint32)
    return x0, x1


def _mask_starts(batch_size: int, T: int):
    len_mask = int(round(T * _MASK_RATE))
    seed = 42
    k1 = np.uint32((seed >> 32) & 0xFFFFFFFF)
    k2 = np.uint32(seed & 0xFFFFFFFF)
    b1, b2 = _threefry2x32(k1, k2, np.zeros(2, np.uint32),
                           np.arange(2, dtype=np.uint32))
    zeros_n = np.zeros(batch_size, np.uint32)
    iota_n = np.arange(batch_size, dtype=np.uint32)
    h1, h2 = _threefry2x32(b1[0], b2[0], zeros_n, iota_n)
    l1, l2 = _threefry2x32(b1[1], b2[1], zeros_n, iota_n)
    higher = (h1 ^ h2).astype(np.uint32)
    lower = (l1 ^ l2).astype(np.uint32)
    span = np.uint32(T - len_mask)
    mult = np.uint32(np.uint32(2 ** 16) % span)
    mult = np.uint32((mult * mult) % span)
    off = ((higher % span) * mult + (lower % span)).astype(np.uint32) % span
    return [int(v) for v in off], len_mask


def kernel(input):
    B, C, T, D = input.shape
    starts, L = _mask_starts(B, T)
    NE = B * C * T * D
    x1 = input.reshape(NE)
    zeros = jnp.zeros((L * D,), input.dtype)

    info = plsc.get_sparse_core_info()
    NC, NS = info.num_cores, info.num_subcores
    NW = NC * NS
    pairs = B * C
    per_w = pairs // NW
    span = per_w * T * D
    CHR = 256
    CH = CHR * D
    rows_w = per_w * T
    plan = []
    r = 0
    while r < rows_w:
        n = min(CHR, rows_w - r)
        plan.append((r * D, n * D))
        r += n
    NCHUNK = len(plan)
    NBUF = 3

    mesh = plsc.VectorSubcoreMesh(core_axis_name="c", subcore_axis_name="s")

    @functools.partial(
        pl.kernel,
        mesh=mesh,
        out_type=jax.ShapeDtypeStruct((NE,), input.dtype),
        scratch_types=[
            pltpu.VMEM_SHARED((16 * NBUF * CH,), jnp.float32),
            pltpu.VMEM((L * D,), jnp.float32),
            pltpu.SemaphoreType.DMA,
            pltpu.SemaphoreType.DMA,
            pltpu.SemaphoreType.DMA,
            pltpu.SemaphoreType.DMA,
            pltpu.SemaphoreType.DMA,
            pltpu.SemaphoreType.DMA,
            pltpu.SemaphoreType.DMA,
            pltpu.SemaphoreType.DMA,
        ],
    )
    def sc_fn(x_hbm, z_hbm, out_hbm, shared, zbuf,
              in_sem0, in_sem1, in_sem2, out_sem0, out_sem1, out_sem2,
              z_sem, band_sem):
        sid = lax.axis_index("s")
        bufs = [shared.at[pl.ds((sid * NBUF + b) * CH, CH)]
                for b in range(NBUF)]
        in_sems = [in_sem0, in_sem1, in_sem2]
        out_sems = [out_sem0, out_sem1, out_sem2]
        wid = lax.axis_index("s") * NC + lax.axis_index("c")
        base = wid * span
        z_h = pltpu.async_copy(z_hbm, zbuf, z_sem)

        bi = wid // (C // per_w)
        s = jnp.int32(starts[0])
        for i in range(1, B):
            s = jnp.where(bi == i, jnp.int32(starts[i]), s)

        def issue_band(j):
            e0 = base + j * T * D + s * D
            return pltpu.async_copy(zbuf, out_hbm.at[pl.ds(e0, L * D)],
                                    band_sem)

        in_h = [None] * NBUF
        out_h = [None] * NBUF
        for k in range(NCHUNK + 1):
            if k < NCHUNK:
                b = k % NBUF
                if out_h[b] is not None:
                    out_h[b].wait()
                off, sz = plan[k]
                in_h[b] = pltpu.async_copy(
                    x_hbm.at[pl.ds(base + off, sz)],
                    bufs[b] if sz == CH else shared.at[pl.ds(
                        (sid * NBUF + b) * CH, sz)],
                    in_sems[b])
            if k >= 1:
                pb = (k - 1) % NBUF
                in_h[pb].wait()
                poff, psz = plan[k - 1]
                out_h[pb] = pltpu.async_copy(
                    bufs[pb] if psz == CH else shared.at[pl.ds(
                        (sid * NBUF + pb) * CH, psz)],
                    out_hbm.at[pl.ds(base + poff, psz)],
                    out_sems[pb])
        for b in range(NBUF):
            if out_h[b] is not None:
                out_h[b].wait()

        z_h.wait()
        band_h = [issue_band(j) for j in range(per_w)]
        for h in band_h:
            h.wait()

    out1 = sc_fn(x1, zeros)
    return out1.reshape(B, C, T, D)

# --- scband reference (transcript-rebuilt; emitter-appended) ---
"""Pipeline reference for scband-mask-block-43911745634408 (READ-ONLY COPY).

The authoritative reference and input builder live on the scoring server;
editing this copy changes nothing except your own understanding.
"""

import jax, jax.numpy as jnp
import numpy as np

MASK_RATE = 0.1

def setup_inputs(seed: int = 0) -> dict:
    key = jax.random.key(seed)
    x = jax.random.normal(jax.random.fold_in(key, 0), (16, 8, 2048, 128), dtype=jnp.float32)
    return {"input": x}

def reference(input) -> jnp.ndarray:
    # Faithful translation of mask_block.forward in training mode:
    # for each batch element, zero out a contiguous block of length len_mask
    # along dim 2, starting at a random index b[i] in [0, T - len_mask).
    assert input.ndim == 4
    batch_size = input.shape[0]
    T = input.shape[2]
    len_mask = int(round(T * MASK_RATE))
    key = jax.random.key(42)
    b = jax.random.randint(key, (batch_size,), 0, T - len_mask)  # int constants
    positions = jnp.arange(T)  # [T]
    # mask[i, t] = True where t in [b[i], b[i]+len_mask)
    mask = (positions[None, :] >= b[:, None]) & (positions[None, :] < (b[:, None] + len_mask))  # [B, T]
    mask4 = mask[:, None, :, None]  # [B, 1, T, 1]
    out = jnp.where(mask4, jnp.zeros((), dtype=input.dtype), input)
    return out

if __name__ == "__main__":
    import jax
    _d = setup_inputs()
    print(jax.jit(kernel)(*tuple(_d.values())))

</pallas_src>

<mosaic_0001>
#map = affine_map<(d0, d1) -> (0)>
module attributes {stable_mosaic.version = 14 : i64} {
  func.func @sc_fn(%arg0: i32, %arg1: i32, %arg2: memref<33554432xf32, #tpu.memory_space<hbm>>, %arg3: memref<26240xf32, #tpu.memory_space<hbm>>, %arg4: memref<33554432xf32, #tpu.memory_space<hbm>>, %arg5: memref<1572864xf32, #tpu.memory_space<vmem_shared>>, %arg6: memref<26240xf32, #tpu.memory_space<vmem>>, %arg7: memref<!tpu.dma_semaphore, #tpu.memory_space<semaphore_mem>>, %arg8: memref<!tpu.dma_semaphore, #tpu.memory_space<semaphore_mem>>, %arg9: memref<!tpu.dma_semaphore, #tpu.memory_space<semaphore_mem>>, %arg10: memref<!tpu.dma_semaphore, #tpu.memory_space<semaphore_mem>>, %arg11: memref<!tpu.dma_semaphore, #tpu.memory_space<semaphore_mem>>, %arg12: memref<!tpu.dma_semaphore, #tpu.memory_space<semaphore_mem>>, %arg13: memref<!tpu.dma_semaphore, #tpu.memory_space<semaphore_mem>>, %arg14: memref<!tpu.dma_semaphore, #tpu.memory_space<semaphore_mem>>) attributes {dimension_semantics = [#tpu.dimension_semantics<core_parallel>, #tpu.dimension_semantics<subcore_parallel>], iteration_bounds = array<i64: 2, 16>, scalar_prefetch = 0 : i64, scratch_operands = 10 : i64, tpu.core_type = #tpu.core_type<sc_vector_subcore>, window_params = [{transform_indices = #map}, {transform_indices = #map}, {transform_indices = #map}]} {
    %mul3A = arith.constant 3 : i32
    %mul3A_0 = arith.muli %arg1, %mul3A : i32
    %add3A = arith.constant 0 : i32
    %add3A_1 = arith.addi %mul3A_0, %add3A : i32
    %mul3A_2 = arith.constant 32768 : i32
    %mul3A_3 = arith.muli %add3A_1, %mul3A_2 : i32
    %mul3A_4 = arith.constant 3 : i32
    %mul3A_5 = arith.muli %arg1, %mul3A_4 : i32
    %add3A_6 = arith.constant 1 : i32
    %add3A_7 = arith.addi %mul3A_5, %add3A_6 : i32
    %mul3A_8 = arith.constant 32768 : i32
    %mul3A_9 = arith.muli %add3A_7, %mul3A_8 : i32
    %mul3A_10 = arith.constant 3 : i32
    %mul3A_11 = arith.muli %arg1, %mul3A_10 : i32
    %add3A_12 = arith.constant 2 : i32
    %add3A_13 = arith.addi %mul3A_11, %add3A_12 : i32
    %mul3A_14 = arith.constant 32768 : i32
    %mul3A_15 = arith.muli %add3A_13, %mul3A_14 : i32
    %mul3A_16 = arith.constant 2 : i32
    %mul3A_17 = arith.muli %arg1, %mul3A_16 : i32
    %add3A_18 = arith.addi %mul3A_17, %arg0 : i32
    %mul3A_19 = arith.constant 1048576 : i32
    %mul3A_20 = arith.muli %add3A_18, %mul3A_19 : i32
    tpu.enqueue_dma source(%arg3 : memref<26240xf32, #tpu.memory_space<hbm>>) target(%arg6 : memref<26240xf32, #tpu.memory_space<vmem>>) target_semaphore(%arg13 : memref<!tpu.dma_semaphore, #tpu.memory_space<semaphore_mem>>)
    %jit3A = arith.constant 2 : i32
    %div3A = arith.divsi %add3A_18, %jit3A : i32
    %sign3A = arith.constant 0 : i32
    %sign3A_21 = arith.cmpi sgt, %add3A_18, %sign3A : i32
    %sign3A_22 = arith.extui %sign3A_21 : i1 to i32
    %sign3A_23 = arith.constant 0 : i32
    %sign3A_24 = arith.cmpi slt, %add3A_18, %sign3A_23 : i32
    %sign3A_25 = arith.extui %sign3A_24 : i1 to i32
    %sign3A_26 = arith.subi %sign3A_22, %sign3A_25 : i32
    %sign3A_27 = arith.constant 0 : i32
    %sign3A_28 = arith.cmpi sgt, %jit3A, %sign3A_27 : i32
    %sign3A_29 = arith.extui %sign3A_28 : i1 to i32
    %sign3A_30 = arith.constant 0 : i32
    %sign3A_31 = arith.cmpi slt, %jit3A, %sign3A_30 : i32
    %sign3A_32 = arith.extui %sign3A_31 : i1 to i32
    %sign3A_33 = arith.subi %sign3A_29, %sign3A_32 : i32
    %ne3A = arith.cmpi ne, %sign3A_26, %sign3A_33 : i32
    %rem3A = arith.remsi %add3A_18, %jit3A : i32
    %ne3A_34 = arith.constant 0 : i32
    %ne3A_35 = arith.cmpi ne, %rem3A, %ne3A_34 : i32
    %and3A = arith.andi %ne3A, %ne3A_35 : i1
    %sub3A = arith.constant 1 : i32
    %sub3A_36 = arith.subi %div3A, %sub3A : i32
    %select_n3A = arith.select %and3A, %sub3A_36, %div3A : i32
    %eq3A = arith.constant 1 : i32
    %eq3A_37 = arith.cmpi eq, %select_n3A, %eq3A : i32
    %jit3A_38 = arith.constant 1434 : i32
    %jit3A_39 = arith.constant 1684 : i32
    %select_n3A_40 = arith.select %eq3A_37, %jit3A_38, %jit3A_39 : i32
    %eq3A_41 = arith.constant 2 : i32
    %eq3A_42 = arith.cmpi eq, %select_n3A, %eq3A_41 : i32
    %jit3A_43 = arith.constant 1735 : i32
    %select_n3A_44 = arith.select %eq3A_42, %jit3A_43, %select_n3A_40 : i32
    %eq3A_45 = arith.constant 3 : i32
    %eq3A_46 = arith.cmpi eq, %select_n3A, %eq3A_45 : i32
    %jit3A_47 = arith.constant 730 : i32
    %select_n3A_48 = arith.select %eq3A_46, %jit3A_47, %select_n3A_44 : i32
    %eq3A_49 = arith.constant 4 : i32
    %eq3A_50 = arith.cmpi eq, %select_n3A, %eq3A_49 : i32
    %jit3A_51 = arith.constant 1383 : i32
    %select_n3A_52 = arith.select %eq3A_50, %jit3A_51, %select_n3A_48 : i32
    %eq3A_53 = arith.constant 5 : i32
    %eq3A_54 = arith.cmpi eq, %select_n3A, %eq3A_53 : i32
    %jit3A_55 = arith.constant 812 : i32
    %select_n3A_56 = arith.select %eq3A_54, %jit3A_55, %select_n3A_52 : i32
    %eq3A_57 = arith.constant 6 : i32
    %eq3A_58 = arith.cmpi eq, %select_n3A, %eq3A_57 : i32
    %jit3A_59 = arith.constant 21 : i32
    %select_n3A_60 = arith.select %eq3A_58, %jit3A_59, %select_n3A_56 : i32
    %eq3A_61 = arith.constant 7 : i32
    %eq3A_62 = arith.cmpi eq, %select_n3A, %eq3A_61 : i32
    %jit3A_63 = arith.constant 1096 : i32
    %select_n3A_64 = arith.select %eq3A_62, %jit3A_63, %select_n3A_60 : i32
    %eq3A_65 = arith.constant 8 : i32
    %eq3A_66 = arith.cmpi eq, %select_n3A, %eq3A_65 : i32
    %jit3A_67 = arith.constant 874 : i32
    %select_n3A_68 = arith.select %eq3A_66, %jit3A_67, %select_n3A_64 : i32
    %eq3A_69 = arith.constant 9 : i32
    %eq3A_70 = arith.cmpi eq, %select_n3A, %eq3A_69 : i32
    %jit3A_71 = arith.constant 683 : i32
    %select_n3A_72 = arith.select %eq3A_70, %jit3A_71, %select_n3A_68 : i32
    %eq3A_73 = arith.constant 10 : i32
    %eq3A_74 = arith.cmpi eq, %select_n3A, %eq3A_73 : i32
    %jit3A_75 = arith.constant 1184 : i32
    %select_n3A_76 = arith.select %eq3A_74, %jit3A_75, %select_n3A_72 : i32
    %eq3A_77 = arith.constant 11 : i32
    %eq3A_78 = arith.cmpi eq, %select_n3A, %eq3A_77 : i32
    %jit3A_79 = arith.constant 1121 : i32
    %select_n3A_80 = arith.select %eq3A_78, %jit3A_79, %select_n3A_76 : i32
    %eq3A_81 = arith.constant 12 : i32
    %eq3A_82 = arith.cmpi eq, %select_n3A, %eq3A_81 : i32
    %jit3A_83 = arith.constant 378 : i32
    %select_n3A_84 = arith.select %eq3A_82, %jit3A_83, %select_n3A_80 : i32
    %eq3A_85 = arith.constant 13 : i32
    %eq3A_86 = arith.cmpi eq, %select_n3A, %eq3A_85 : i32
    %jit3A_87 = arith.constant 1360 : i32
    %select_n3A_88 = arith.select %eq3A_86, %jit3A_87, %select_n3A_84 : i32
    %eq3A_89 = arith.constant 14 : i32
    %eq3A_90 = arith.cmpi eq, %select_n3A, %eq3A_89 : i32
    %jit3A_91 = arith.constant 428 : i32
    %select_n3A_92 = arith.select %eq3A_90, %jit3A_91, %select_n3A_88 : i32
    %eq3A_93 = arith.constant 15 : i32
    %eq3A_94 = arith.cmpi eq, %select_n3A, %eq3A_93 : i32
    %jit3A_95 = arith.constant 886 : i32
    %select_n3A_96 = arith.select %eq3A_94, %jit3A_95, %select_n3A_92 : i32
    %add3A_97 = arith.constant 0 : i32
    %add3A_98 = arith.addi %mul3A_20, %add3A_97 : i32
    %dma_start3A = tpu.memref_slice %arg5[%mul3A_3] : memref<1572864xf32, #tpu.memory_space<vmem_shared>> -> memref<32768xf32, #tpu.memory_space<vmem_shared>>
    %dma_start3A_99 = tpu.memref_slice %arg2[%add3A_98] : memref<33554432xf32, #tpu.memory_space<hbm>> -> memref<32768xf32, #tpu.memory_space<hbm>>
    tpu.enqueue_dma source(%dma_start3A_99 : memref<32768xf32, #tpu.memory_space<hbm>>) target(%dma_start3A : memref<32768xf32, #tpu.memory_space<vmem_shared>>) target_semaphore(%arg7 : memref<!tpu.dma_semaphore, #tpu.memory_space<semaphore_mem>>)
    %add3A_100 = arith.constant 32768 : i32
    %add3A_101 = arith.addi %mul3A_20, %add3A_100 : i32
    %dma_start3A_102 = tpu.memref_slice %arg5[%mul3A_9] : memref<1572864xf32, #tpu.memory_space<vmem_shared>> -> memref<32768xf32, #tpu.memory_space<vmem_shared>>
    %dma_start3A_103 = tpu.memref_slice %arg2[%add3A_101] : memref<33554432xf32, #tpu.memory_space<hbm>> -> memref<32768xf32, #tpu.memory_space<hbm>>
    tpu.enqueue_dma source(%dma_start3A_103 : memref<32768xf32, #tpu.memory_space<hbm>>) target(%dma_start3A_102 : memref<32768xf32, #tpu.memory_space<vmem_shared>>) target_semaphore(%arg8 : memref<!tpu.dma_semaphore, #tpu.memory_space<semaphore_mem>>)
    %dma_wait3A = tpu.memref_slice %arg5[%mul3A_3] : memref<1572864xf32, #tpu.memory_space<vmem_shared>> -> memref<32768xf32, #tpu.memory_space<vmem_shared>>
    %dma_wait3A_104 = tpu.memref_slice %arg2[%add3A_98] : memref<33554432xf32, #tpu.memory_space<hbm>> -> memref<32768xf32, #tpu.memory_space<hbm>>
    tpu.wait_dma2 semaphore(%arg7 : memref<!tpu.dma_semaphore, #tpu.memory_space<semaphore_mem>>) src(%dma_wait3A_104 : memref<32768xf32, #tpu.memory_space<hbm>>) dst(%dma_wait3A : memref<32768xf32, #tpu.memory_space<vmem_shared>>)
    %add3A_105 = arith.constant 0 : i32
    %add3A_106 = arith.addi %mul3A_20, %add3A_105 : i32
    %dma_start3A_107 = tpu.memref_slice %arg4[%add3A_106] : memref<33554432xf32, #tpu.memory_space<hbm>> -> memref<32768xf32, #tpu.memory_space<hbm>>
    %dma_start3A_108 = tpu.memref_slice %arg5[%mul3A_3] : memref<1572864xf32, #tpu.memory_space<vmem_shared>> -> memref<32768xf32, #tpu.memory_space<vmem_shared>>
    tpu.enqueue_dma source(%dma_start3A_108 : memref<32768xf32, #tpu.memory_space<vmem_shared>>) target(%dma_start3A_107 : memref<32768xf32, #tpu.memory_space<hbm>>) target_semaphore(%arg10 : memref<!tpu.dma_semaphore, #tpu.memory_space<semaphore_mem>>)
    %add3A_109 = arith.constant 65536 : i32
    %add3A_110 = arith.addi %mul3A_20, %add3A_109 : i32
    %dma_start3A_111 = tpu.memref_slice %arg5[%mul3A_15] : memref<1572864xf32, #tpu.memory_space<vmem_shared>> -> memref<32768xf32, #tpu.memory_space<vmem_shared>>
    %dma_start3A_112 = tpu.memref_slice %arg2[%add3A_110] : memref<33554432xf32, #tpu.memory_space<hbm>> -> memref<32768xf32, #tpu.memory_space<hbm>>
    tpu.enqueue_dma source(%dma_start3A_112 : memref<32768xf32, #tpu.memory_space<hbm>>) target(%dma_start3A_111 : memref<32768xf32, #tpu.memory_space<vmem_shared>>) target_semaphore(%arg9 : memref<!tpu.dma_semaphore, #tpu.memory_space<semaphore_mem>>)
    %dma_wait3A_113 = tpu.memref_slice %arg5[%mul3A_9] : memref<1572864xf32, #tpu.memory_space<vmem_shared>> -> memref<32768xf32, #tpu.memory_space<vmem_shared>>
    %dma_wait3A_114 = tpu.memref_slice %arg2[%add3A_101] : memref<33554432xf32, #tpu.memory_space<hbm>> -> memref<32768xf32, #tpu.memory_space<hbm>>
    tpu.wait_dma2 semaphore(%arg8 : memref<!tpu.dma_semaphore, #tpu.memory_space<semaphore_mem>>) src(%dma_wait3A_114 : memref<32768xf32, #tpu.memory_space<hbm>>) dst(%dma_wait3A_113 : memref<32768xf32, #tpu.memory_space<vmem_shared>>)
    %add3A_115 = arith.constant 32768 : i32
    %add3A_116 = arith.addi %mul3A_20, %add3A_115 : i32
    %dma_start3A_117 = tpu.memref_slice %arg4[%add3A_116] : memref<33554432xf32, #tpu.memory_space<hbm>> -> memref<32768xf32, #tpu.memory_space<hbm>>
    %dma_start3A_118 = tpu.memref_slice %arg5[%mul3A_9] : memref<1572864xf32, #tpu.memory_space<vmem_shared>> -> memref<32768xf32, #tpu.memory_space<vmem_shared>>
    tpu.enqueue_dma source(%dma_start3A_118 : memref<32768xf32, #tpu.memory_space<vmem_shared>>) target(%dma_start3A_117 : memref<32768xf32, #tpu.memory_space<hbm>>) target_semaphore(%arg11 : memref<!tpu.dma_semaphore, #tpu.memory_space<semaphore_mem>>)
    %dma_wait3A_119 = tpu.memref_slice %arg4[%add3A_106] : memref<33554432xf32, #tpu.memory_space<hbm>> -> memref<32768xf32, #tpu.memory_space<hbm>>
    %dma_wait3A_120 = tpu.memref_slice %arg5[%mul3A_3] : memref<1572864xf32, #tpu.memory_space<vmem_shared>> -> memref<32768xf32, #tpu.memory_space<vmem_shared>>
    tpu.wait_dma2 semaphore(%arg10 : memref<!tpu.dma_semaphore, #tpu.memory_space<semaphore_mem>>) src(%dma_wait3A_120 : memref<32768xf32, #tpu.memory_space<vmem_shared>>) dst(%dma_wait3A_119 : memref<32768xf32, #tpu.memory_space<hbm>>)
    %add3A_121 = arith.constant 98304 : i32
    %add3A_122 = arith.addi %mul3A_20, %add3A_121 : i32
    %dma_start3A_123 = tpu.memref_slice %arg5[%mul3A_3] : memref<1572864xf32, #tpu.memory_space<vmem_shared>> -> memref<32768xf32, #tpu.memory_space<vmem_shared>>
    %dma_start3A_124 = tpu.memref_slice %arg2[%add3A_122] : memref<33554432xf32, #tpu.memory_space<hbm>> -> memref<32768xf32, #tpu.memory_space<hbm>>
    tpu.enqueue_dma source(%dma_start3A_124 : memref<32768xf32, #tpu.memory_space<hbm>>) target(%dma_start3A_123 : memref<32768xf32, #tpu.memory_space<vmem_shared>>) target_semaphore(%arg7 : memref<!tpu.dma_semaphore, #tpu.memory_space<semaphore_mem>>)
    %dma_wait3A_125 = tpu.memref_slice %arg5[%mul3A_15] : memref<1572864xf32, #tpu.memory_space<vmem_shared>> -> memref<32768xf32, #tpu.memory_space<vmem_shared>>
    %dma_wait3A_126 = tpu.memref_slice %arg2[%add3A_110] : memref<33554432xf32, #tpu.memory_space<hbm>> -> memref<32768xf32, #tpu.memory_space<hbm>>
    tpu.wait_dma2 semaphore(%arg9 : memref<!tpu.dma_semaphore, #tpu.memory_space<semaphore_mem>>) src(%dma_wait3A_126 : memref<32768xf32, #tpu.memory_space<hbm>>) dst(%dma_wait3A_125 : memref<32768xf32, #tpu.memory_space<vmem_shared>>)
    %add3A_127 = arith.constant 65536 : i32
    %add3A_128 = arith.addi %mul3A_20, %add3A_127 : i32
    %dma_start3A_129 = tpu.memref_slice %arg4[%add3A_128] : memref<33554432xf32, #tpu.memory_space<hbm>> -> memref<32768xf32, #tpu.memory_space<hbm>>
    %dma_start3A_130 = tpu.memref_slice %arg5[%mul3A_15] : memref<1572864xf32, #tpu.memory_space<vmem_shared>> -> memref<32768xf32, #tpu.memory_space<vmem_shared>>
    tpu.enqueue_dma source(%dma_start3A_130 : memref<32768xf32, #tpu.memory_space<vmem_shared>>) target(%dma_start3A_129 : memref<32768xf32, #tpu.memory_space<hbm>>) target_semaphore(%arg12 : memref<!tpu.dma_semaphore, #tpu.memory_space<semaphore_mem>>)
    %dma_wait3A_131 = tpu.memref_slice %arg4[%add3A_116] : memref<33554432xf32, #tpu.memory_space<hbm>> -> memref<32768xf32, #tpu.memory_space<hbm>>
    %dma_wait3A_132 = tpu.memref_slice %arg5[%mul3A_9] : memref<1572864xf32, #tpu.memory_space<vmem_shared>> -> memref<32768xf32, #tpu.memory_space<vmem_shared>>
    tpu.wait_dma2 semaphore(%arg11 : memref<!tpu.dma_semaphore, #tpu.memory_space<semaphore_mem>>) src(%dma_wait3A_132 : memref<32768xf32, #tpu.memory_space<vmem_shared>>) dst(%dma_wait3A_131 : memref<32768xf32, #tpu.memory_space<hbm>>)
    %add3A_133 = arith.constant 131072 : i32
    %add3A_134 = arith.addi %mul3A_20, %add3A_133 : i32
    %dma_start3A_135 = tpu.memref_slice %arg5[%mul3A_9] : memref<1572864xf32, #tpu.memory_space<vmem_shared>> -> memref<32768xf32, #tpu.memory_space<vmem_shared>>
    %dma_start3A_136 = tpu.memref_slice %arg2[%add3A_134] : memref<33554432xf32, #tpu.memory_space<hbm>> -> memref<32768xf32, #tpu.memory_space<hbm>>
    tpu.enqueue_dma source(%dma_start3A_136 : memref<32768xf32, #tpu.memory_space<hbm>>) target(%dma_start3A_135 : memref<32768xf32, #tpu.memory_space<vmem_shared>>) target_semaphore(%arg8 : memref<!tpu.dma_semaphore, #tpu.memory_space<semaphore_mem>>)
    %dma_wait3A_137 = tpu.memref_slice %arg5[%mul3A_3] : memref<1572864xf32, #tpu.memory_space<vmem_shared>> -> memref<32768xf32, #tpu.memory_space<vmem_shared>>
    %dma_wait3A_138 = tpu.memref_slice %arg2[%add3A_122] : memref<33554432xf32, #tpu.memory_space<hbm>> -> memref<32768xf32, #tpu.memory_space<hbm>>
    tpu.wait_dma2 semaphore(%arg7 : memref<!tpu.dma_semaphore, #tpu.memory_space<semaphore_mem>>) src(%dma_wait3A_138 : memref<32768xf32, #tpu.memory_space<hbm>>) dst(%dma_wait3A_137 : memref<32768xf32, #tpu.memory_space<vmem_shared>>)
    %add3A_139 = arith.constant 98304 : i32
    %add3A_140 = arith.addi %mul3A_20, %add3A_139 : i32
    %dma_start3A_141 = tpu.memref_slice %arg4[%add3A_140] : memref<33554432xf32, #tpu.memory_space<hbm>> -> memref<32768xf32, #tpu.memory_space<hbm>>
    %dma_start3A_142 = tpu.memref_slice %arg5[%mul3A_3] : memref<1572864xf32, #tpu.memory_space<vmem_shared>> -> memref<32768xf32, #tpu.memory_space<vmem_shared>>
    tpu.enqueue_dma source(%dma_start3A_142 : memref<32768xf32, #tpu.memory_space<vmem_shared>>) target(%dma_start3A_141 : memref<32768xf32, #tpu.memory_space<hbm>>) target_semaphore(%arg10 : memref<!tpu.dma_semaphore, #tpu.memory_space<semaphore_mem>>)
    %dma_wait3A_143 = tpu.memref_slice %arg4[%add3A_128] : memref<33554432xf32, #tpu.memory_space<hbm>> -> memref<32768xf32, #tpu.memory_space<hbm>>
    %dma_wait3A_144 = tpu.memref_slice %arg5[%mul3A_15] : memref<1572864xf32, #tpu.memory_space<vmem_shared>> -> memref<32768xf32, #tpu.memory_space<vmem_shared>>
    tpu.wait_dma2 semaphore(%arg12 : memref<!tpu.dma_semaphore, #tpu.memory_space<semaphore_mem>>) src(%dma_wait3A_144 : memref<32768xf32, #tpu.memory_space<vmem_shared>>) dst(%dma_wait3A_143 : memref<32768xf32, #tpu.memory_space<hbm>>)
    %add3A_145 = arith.constant 163840 : i32
    %add3A_146 = arith.addi %mul3A_20, %add3A_145 : i32
    %dma_start3A_147 = tpu.memref_slice %arg5[%mul3A_15] : memref<1572864xf32, #tpu.memory_space<vmem_shared>> -> memref<32768xf32, #tpu.memory_space<vmem_shared>>
    %dma_start3A_148 = tpu.memref_slice %arg2[%add3A_146] : memref<33554432xf32, #tpu.memory_space<hbm>> -> memref<32768xf32, #tpu.memory_space<hbm>>
    tpu.enqueue_dma source(%dma_start3A_148 : memref<32768xf32, #tpu.memory_space<hbm>>) target(%dma_start3A_147 : memref<32768xf32, #tpu.memory_space<vmem_shared>>) target_semaphore(%arg9 : memref<!tpu.dma_semaphore, #tpu.memory_space<semaphore_mem>>)
    %dma_wait3A_149 = tpu.memref_slice %arg5[%mul3A_9] : memref<1572864xf32, #tpu.memory_space<vmem_shared>> -> memref<32768xf32, #tpu.memory_space<vmem_shared>>
    %dma_wait3A_150 = tpu.memref_slice %arg2[%add3A_134] : memref<33554432xf32, #tpu.memory_space<hbm>> -> memref<32768xf32, #tpu.memory_space<hbm>>
    tpu.wait_dma2 semaphore(%arg8 : memref<!tpu.dma_semaphore, #tpu.memory_space<semaphore_mem>>) src(%dma_wait3A_150 : memref<32768xf32, #tpu.memory_space<hbm>>) dst(%dma_wait3A_149 : memref<32768xf32, #tpu.memory_space<vmem_shared>>)
    %add3A_151 = arith.constant 131072 : i32
    %add3A_152 = arith.addi %mul3A_20, %add3A_151 : i32
    %dma_start3A_153 = tpu.memref_slice %arg4[%add3A_152] : memref<33554432xf32, #tpu.memory_space<hbm>> -> memref<32768xf32, #tpu.memory_space<hbm>>
    %dma_start3A_154 = tpu.memref_slice %arg5[%mul3A_9] : memref<1572864xf32, #tpu.memory_space<vmem_shared>> -> memref<32768xf32, #tpu.memory_space<vmem_shared>>
    tpu.enqueue_dma source(%dma_start3A_154 : memref<32768xf32, #tpu.memory_space<vmem_shared>>) target(%dma_start3A_153 : memref<32768xf32, #tpu.memory_space<hbm>>) target_semaphore(%arg11 : memref<!tpu.dma_semaphore, #tpu.memory_space<semaphore_mem>>)
    %dma_wait3A_155 = tpu.memref_slice %arg4[%add3A_140] : memref<33554432xf32, #tpu.memory_space<hbm>> -> memref<32768xf32, #tpu.memory_space<hbm>>
    %dma_wait3A_156 = tpu.memref_slice %arg5[%mul3A_3] : memref<1572864xf32, #tpu.memory_space<vmem_shared>> -> memref<32768xf32, #tpu.memory_space<vmem_shared>>
    tpu.wait_dma2 semaphore(%arg10 : memref<!tpu.dma_semaphore, #tpu.memory_space<semaphore_mem>>) src(%dma_wait3A_156 : memref<32768xf32, #tpu.memory_space<vmem_shared>>) dst(%dma_wait3A_155 : memref<32768xf32, #tpu.memory_space<hbm>>)
    %add3A_157 = arith.constant 196608 : i32
    %add3A_158 = arith.addi %mul3A_20, %add3A_157 : i32
    %dma_start3A_159 = tpu.memref_slice %arg5[%mul3A_3] : memref<1572864xf32, #tpu.memory_space<vmem_shared>> -> memref<32768xf32, #tpu.memory_space<vmem_shared>>
    %dma_start3A_160 = tpu.memref_slice %arg2[%add3A_158] : memref<33554432xf32, #tpu.memory_space<hbm>> -> memref<32768xf32, #tpu.memory_space<hbm>>
    tpu.enqueue_dma source(%dma_start3A_160 : memref<32768xf32, #tpu.memory_space<hbm>>) target(%dma_start3A_159 : memref<32768xf32, #tpu.memory_space<vmem_shared>>) target_semaphore(%arg7 : memref<!tpu.dma_semaphore, #tpu.memory_space<semaphore_mem>>)
    %dma_wait3A_161 = tpu.memref_slice %arg5[%mul3A_15] : memref<1572864xf32, #tpu.memory_space<vmem_shared>> -> memref<32768xf32, #tpu.memory_space<vmem_shared>>
    %dma_wait3A_162 = tpu.memref_slice %arg2[%add3A_146] : memref<33554432xf32, #tpu.memory_space<hbm>> -> memref<32768xf32, #tpu.memory_space<hbm>>
    tpu.wait_dma2 semaphore(%arg9 : memref<!tpu.dma_semaphore, #tpu.memory_space<semaphore_mem>>) src(%dma_wait3A_162 : memref<32768xf32, #tpu.memory_space<hbm>>) dst(%dma_wait3A_161 : memref<32768xf32, #tpu.memory_space<vmem_shared>>)
    %add3A_163 = arith.constant 163840 : i32
    %add3A_164 = arith.addi %mul3A_20, %add3A_163 : i32
    %dma_start3A_165 = tpu.memref_slice %arg4[%add3A_164] : memref<33554432xf32, #tpu.memory_space<hbm>> -> memref<32768xf32, #tpu.memory_space<hbm>>
    %dma_start3A_166 = tpu.memref_slice %arg5[%mul3A_15] : memref<1572864xf32, #tpu.memory_space<vmem_shared>> -> memref<32768xf32, #tpu.memory_space<vmem_shared>>
    tpu.enqueue_dma source(%dma_start3A_166 : memref<32768xf32, #tpu.memory_space<vmem_shared>>) target(%dma_start3A_165 : memref<32768xf32, #tpu.memory_space<hbm>>) target_semaphore(%arg12 : memref<!tpu.dma_semaphore, #tpu.memory_space<semaphore_mem>>)
    %dma_wait3A_167 = tpu.memref_slice %arg4[%add3A_152] : memref<33554432xf32, #tpu.memory_space<hbm>> -> memref<32768xf32, #tpu.memory_space<hbm>>
    %dma_wait3A_168 = tpu.memref_slice %arg5[%mul3A_9] : memref<1572864xf32, #tpu.memory_space<vmem_shared>> -> memref<32768xf32, #tpu.memory_space<vmem_shared>>
    tpu.wait_dma2 semaphore(%arg11 : memref<!tpu.dma_semaphore, #tpu.memory_space<semaphore_mem>>) src(%dma_wait3A_168 : memref<32768xf32, #tpu.memory_space<vmem_shared>>) dst(%dma_wait3A_167 : memref<32768xf32, #tpu.memory_space<hbm>>)
    %add3A_169 = arith.constant 229376 : i32
    %add3A_170 = arith.addi %mul3A_20, %add3A_169 : i32
    %dma_start3A_171 = tpu.memref_slice %arg5[%mul3A_9] : memref<1572864xf32, #tpu.memory_space<vmem_shared>> -> memref<32768xf32, #tpu.memory_space<vmem_shared>>
    %dma_start3A_172 = tpu.memref_slice %arg2[%add3A_170] : memref<33554432xf32, #tpu.memory_space<hbm>> -> memref<32768xf32, #tpu.memory_space<hbm>>
    tpu.enqueue_dma source(%dma_start3A_172 : memref<32768xf32, #tpu.memory_space<hbm>>) target(%dma_start3A_171 : memref<32768xf32, #tpu.memory_space<vmem_shared>>) target_semaphore(%arg8 : memref<!tpu.dma_semaphore, #tpu.memory_space<semaphore_mem>>)
    %dma_wait3A_173 = tpu.memref_slice %arg5[%mul3A_3] : memref<1572864xf32, #tpu.memory_space<vmem_shared>> -> memref<32768xf32, #tpu.memory_space<vmem_shared>>
    %dma_wait3A_174 = tpu.memref_slice %arg2[%add3A_158] : memref<33554432xf32, #tpu.memory_space<hbm>> -> memref<32768xf32, #tpu.memory_space<hbm>>
    tpu.wait_dma2 semaphore(%arg7 : memref<!tpu.dma_semaphore, #tpu.memory_space<semaphore_mem>>) src(%dma_wait3A_174 : memref<32768xf32, #tpu.memory_space<hbm>>) dst(%dma_wait3A_173 : memref<32768xf32, #tpu.memory_space<vmem_shared>>)
    %add3A_175 = arith.constant 196608 : i32
    %add3A_176 = arith.addi %mul3A_20, %add3A_175 : i32
    %dma_start3A_177 = tpu.memref_slice %arg4[%add3A_176] : memref<33554432xf32, #tpu.memory_space<hbm>> -> memref<32768xf32, #tpu.memory_space<hbm>>
    %dma_start3A_178 = tpu.memref_slice %arg5[%mul3A_3] : memref<1572864xf32, #tpu.memory_space<vmem_shared>> -> memref<32768xf32, #tpu.memory_space<vmem_shared>>
    tpu.enqueue_dma source(%dma_start3A_178 : memref<32768xf32, #tpu.memory_space<vmem_shared>>) target(%dma_start3A_177 : memref<32768xf32, #tpu.memory_space<hbm>>) target_semaphore(%arg10 : memref<!tpu.dma_semaphore, #tpu.memory_space<semaphore_mem>>)
    %dma_wait3A_179 = tpu.memref_slice %arg4[%add3A_164] : memref<33554432xf32, #tpu.memory_space<hbm>> -> memref<32768xf32, #tpu.memory_space<hbm>>
    %dma_wait3A_180 = tpu.memref_slice %arg5[%mul3A_15] : memref<1572864xf32, #tpu.memory_space<vmem_shared>> -> memref<32768xf32, #tpu.memory_space<vmem_shared>>
    tpu.wait_dma2 semaphore(%arg12 : memref<!tpu.dma_semaphore, #tpu.memory_space<semaphore_mem>>) src(%dma_wait3A_180 : memref<32768xf32, #tpu.memory_space<vmem_shared>>) dst(%dma_wait3A_179 : memref<32768xf32, #tpu.memory_space<hbm>>)
    %add3A_181 = arith.constant 262144 : i32
    %add3A_182 = arith.addi %mul3A_20, %add3A_181 : i32
    %dma_start3A_183 = tpu.memref_slice %arg5[%mul3A_15] : memref<1572864xf32, #tpu.memory_space<vmem_shared>> -> memref<32768xf32, #tpu.memory_space<vmem_shared>>
    %dma_start3A_184 = tpu.memref_slice %arg2[%add3A_182] : memref<33554432xf32, #tpu.memory_space<hbm>> -> memref<32768xf32, #tpu.memory_space<hbm>>
    tpu.enqueue_dma source(%dma_start3A_184 : memref<32768xf32, #tpu.memory_space<hbm>>) target(%dma_start3A_183 : memref<32768xf32, #tpu.memory_space<vmem_shared>>) target_semaphore(%arg9 : memref<!tpu.dma_semaphore, #tpu.memory_space<semaphore_mem>>)
    %dma_wait3A_185 = tpu.memref_slice %arg5[%mul3A_9] : memref<1572864xf32, #tpu.memory_space<vmem_shared>> -> memref<32768xf32, #tpu.memory_space<vmem_shared>>
    %dma_wait3A_186 = tpu.memref_slice %arg2[%add3A_170] : memref<33554432xf32, #tpu.memory_space<hbm>> -> memref<32768xf32, #tpu.memory_space<hbm>>
    tpu.wait_dma2 semaphore(%arg8 : memref<!tpu.dma_semaphore, #tpu.memory_space<semaphore_mem>>) src(%dma_wait3A_186 : memref<32768xf32, #tpu.memory_space<hbm>>) dst(%dma_wait3A_185 : memref<32768xf32, #tpu.memory_space<vmem_shared>>)
    %add3A_187 = arith.constant 229376 : i32
    %add3A_188 = arith.addi %mul3A_20, %add3A_187 : i32
    %dma_start3A_189 = tpu.memref_slice %arg4[%add3A_188] : memref<33554432xf32, #tpu.memory_space<hbm>> -> memref<32768xf32, #tpu.memory_space<hbm>>
    %dma_start3A_190 = tpu.memref_slice %arg5[%mul3A_9] : memref<1572864xf32, #tpu.memory_space<vmem_shared>> -> memref<32768xf32, #tpu.memory_space<vmem_shared>>
    tpu.enqueue_dma source(%dma_start3A_190 : memref<32768xf32, #tpu.memory_space<vmem_shared>>) target(%dma_start3A_189 : memref<32768xf32, #tpu.memory_space<hbm>>) target_semaphore(%arg11 : memref<!tpu.dma_semaphore, #tpu.memory_space<semaphore_mem>>)
    %dma_wait3A_191 = tpu.memref_slice %arg4[%add3A_176] : memref<33554432xf32, #tpu.memory_space<hbm>> -> memref<32768xf32, #tpu.memory_space<hbm>>
    %dma_wait3A_192 = tpu.memref_slice %arg5[%mul3A_3] : memref<1572864xf32, #tpu.memory_space<vmem_shared>> -> memref<32768xf32, #tpu.memory_space<vmem_shared>>
    tpu.wait_dma2 semaphore(%arg10 : memref<!tpu.dma_semaphore, #tpu.memory_space<semaphore_mem>>) src(%dma_wait3A_192 : memref<32768xf32, #tpu.memory_space<vmem_shared>>) dst(%dma_wait3A_191 : memref<32768xf32, #tpu.memory_space<hbm>>)
    %add3A_193 = arith.constant 294912 : i32
    %add3A_194 = arith.addi %mul3A_20, %add3A_193 : i32
    %dma_start3A_195 = tpu.memref_slice %arg5[%mul3A_3] : memref<1572864xf32, #tpu.memory_space<vmem_shared>> -> memref<32768xf32, #tpu.memory_space<vmem_shared>>
    %dma_start3A_196 = tpu.memref_slice %arg2[%add3A_194] : memref<33554432xf32, #tpu.memory_space<hbm>> -> memref<32768xf32, #tpu.memory_space<hbm>>
    tpu.enqueue_dma source(%dma_start3A_196 : memref<32768xf32, #tpu.memory_space<hbm>>) target(%dma_start3A_195 : memref<32768xf32, #tpu.memory_space<vmem_shared>>) target_semaphore(%arg7 : memref<!tpu.dma_semaphore, #tpu.memory_space<semaphore_mem>>)
    %dma_wait3A_197 = tpu.memref_slice %arg5[%mul3A_15] : memref<1572864xf32, #tpu.memory_space<vmem_shared>> -> memref<32768xf32, #tpu.memory_space<vmem_shared>>
    %dma_wait3A_198 = tpu.memref_slice %arg2[%add3A_182] : memref<33554432xf32, #tpu.memory_space<hbm>> -> memref<32768xf32, #tpu.memory_space<hbm>>
    tpu.wait_dma2 semaphore(%arg9 : memref<!tpu.dma_semaphore, #tpu.memory_space<semaphore_mem>>) src(%dma_wait3A_198 : memref<32768xf32, #tpu.memory_space<hbm>>) dst(%dma_wait3A_197 : memref<32768xf32, #tpu.memory_space<vmem_shared>>)
    %add3A_199 = arith.constant 262144 : i32
    %add3A_200 = arith.addi %mul3A_20, %add3A_199 : i32
    %dma_start3A_201 = tpu.memref_slice %arg4[%add3A_200] : memref<33554432xf32, #tpu.memory_space<hbm>> -> memref<32768xf32, #tpu.memory_space<hbm>>
    %dma_start3A_202 = tpu.memref_slice %arg5[%mul3A_15] : memref<1572864xf32, #tpu.memory_space<vmem_shared>> -> memref<32768xf32, #tpu.memory_space<vmem_shared>>
    tpu.enqueue_dma source(%dma_start3A_202 : memref<32768xf32, #tpu.memory_space<vmem_shared>>) target(%dma_start3A_201 : memref<32768xf32, #tpu.memory_space<hbm>>) target_semaphore(%arg12 : memref<!tpu.dma_semaphore, #tpu.memory_space<semaphore_mem>>)
    %dma_wait3A_203 = tpu.memref_slice %arg4[%add3A_188] : memref<33554432xf32, #tpu.memory_space<hbm>> -> memref<32768xf32, #tpu.memory_space<hbm>>
    %dma_wait3A_204 = tpu.memref_slice %arg5[%mul3A_9] : memref<1572864xf32, #tpu.memory_space<vmem_shared>> -> memref<32768xf32, #tpu.memory_space<vmem_shared>>
    tpu.wait_dma2 semaphore(%arg11 : memref<!tpu.dma_semaphore, #tpu.memory_space<semaphore_mem>>) src(%dma_wait3A_204 : memref<32768xf32, #tpu.memory_space<vmem_shared>>) dst(%dma_wait3A_203 : memref<32768xf32, #tpu.memory_space<hbm>>)
    %add3A_205 = arith.constant 327680 : i32
    %add3A_206 = arith.addi %mul3A_20, %add3A_205 : i32
    %dma_start3A_207 = tpu.memref_slice %arg5[%mul3A_9] : memref<1572864xf32, #tpu.memory_space<vmem_shared>> -> memref<32768xf32, #tpu.memory_space<vmem_shared>>
    %dma_start3A_208 = tpu.memref_slice %arg2[%add3A_206] : memref<33554432xf32, #tpu.memory_space<hbm>> -> memref<32768xf32, #tpu.memory_space<hbm>>
    tpu.enqueue_dma source(%dma_start3A_208 : memref<32768xf32, #tpu.memory_space<hbm>>) target(%dma_start3A_207 : memref<32768xf32, #tpu.memory_space<vmem_shared>>) target_semaphore(%arg8 : memref<!tpu.dma_semaphore, #tpu.memory_space<semaphore_mem>>)
    %dma_wait3A_209 = tpu.memref_slice %arg5[%mul3A_3] : memref<1572864xf32, #tpu.memory_space<vmem_shared>> -> memref<32768xf32, #tpu.memory_space<vmem_shared>>
    %dma_wait3A_210 = tpu.memref_slice %arg2[%add3A_194] : memref<33554432xf32, #tpu.memory_space<hbm>> -> memref<32768xf32, #tpu.memory_space<hbm>>
    tpu.wait_dma2 semaphore(%arg7 : memref<!tpu.dma_semaphore, #tpu.memory_space<semaphore_mem>>) src(%dma_wait3A_210 : memref<32768xf32, #tpu.memory_space<hbm>>) dst(%dma_wait3A_209 : memref<32768xf32, #tpu.memory_space<vmem_shared>>)
    %add3A_211 = arith.constant 294912 : i32
    %add3A_212 = arith.addi %mul3A_20, %add3A_211 : i32
    %dma_start3A_213 = tpu.memref_slice %arg4[%add3A_212] : memref<33554432xf32, #tpu.memory_space<hbm>> -> memref<32768xf32, #tpu.memory_space<hbm>>
    %dma_start3A_214 = tpu.memref_slice %arg5[%mul3A_3] : memref<1572864xf32, #tpu.memory_space<vmem_shared>> -> memref<32768xf32, #tpu.memory_space<vmem_shared>>
    tpu.enqueue_dma source(%dma_start3A_214 : memref<32768xf32, #tpu.memory_space<vmem_shared>>) target(%dma_start3A_213 : memref<32768xf32, #tpu.memory_space<hbm>>) target_semaphore(%arg10 : memref<!tpu.dma_semaphore, #tpu.memory_space<semaphore_mem>>)
    %dma_wait3A_215 = tpu.memref_slice %arg4[%add3A_200] : memref<33554432xf32, #tpu.memory_space<hbm>> -> memref<32768xf32, #tpu.memory_space<hbm>>
    %dma_wait3A_216 = tpu.memref_slice %arg5[%mul3A_15] : memref<1572864xf32, #tpu.memory_space<vmem_shared>> -> memref<32768xf32, #tpu.memory_space<vmem_shared>>
    tpu.wait_dma2 semaphore(%arg12 : memref<!tpu.dma_semaphore, #tpu.memory_space<semaphore_mem>>) src(%dma_wait3A_216 : memref<32768xf32, #tpu.memory_space<vmem_shared>>) dst(%dma_wait3A_215 : memref<32768xf32, #tpu.memory_space<hbm>>)
    %add3A_217 = arith.constant 360448 : i32
    %add3A_218 = arith.addi %mul3A_20, %add3A_217 : i32
    %dma_start3A_219 = tpu.memref_slice %arg5[%mul3A_15] : memref<1572864xf32, #tpu.memory_space<vmem_shared>> -> memref<32768xf32, #tpu.memory_space<vmem_shared>>
    %dma_start3A_220 = tpu.memref_slice %arg2[%add3A_218] : memref<33554432xf32, #tpu.memory_space<hbm>> -> memref<32768xf32, #tpu.memory_space<hbm>>
    tpu.enqueue_dma source(%dma_start3A_220 : memref<32768xf32, #tpu.memory_space<hbm>>) target(%dma_start3A_219 : memref<32768xf32, #tpu.memory_space<vmem_shared>>) target_semaphore(%arg9 : memref<!tpu.dma_semaphore, #tpu.memory_space<semaphore_mem>>)
    %dma_wait3A_221 = tpu.memref_slice %arg5[%mul3A_9] : memref<1572864xf32, #tpu.memory_space<vmem_shared>> -> memref<32768xf32, #tpu.memory_space<vmem_shared>>
    %dma_wait3A_222 = tpu.memref_slice %arg2[%add3A_206] : memref<33554432xf32, #tpu.memory_space<hbm>> -> memref<32768xf32, #tpu.memory_space<hbm>>
    tpu.wait_dma2 semaphore(%arg8 : memref<!tpu.dma_semaphore, #tpu.memory_space<semaphore_mem>>) src(%dma_wait3A_222 : memref<32768xf32, #tpu.memory_space<hbm>>) dst(%dma_wait3A_221 : memref<32768xf32, #tpu.memory_space<vmem_shared>>)
    %add3A_223 = arith.constant 327680 : i32
    %add3A_224 = arith.addi %mul3A_20, %add3A_223 : i32
    %dma_start3A_225 = tpu.memref_slice %arg4[%add3A_224] : memref<33554432xf32, #tpu.memory_space<hbm>> -> memref<32768xf32, #tpu.memory_space<hbm>>
    %dma_start3A_226 = tpu.memref_slice %arg5[%mul3A_9] : memref<1572864xf32, #tpu.memory_space<vmem_shared>> -> memref<32768xf32, #tpu.memory_space<vmem_shared>>
    tpu.enqueue_dma source(%dma_start3A_226 : memref<32768xf32, #tpu.memory_space<vmem_shared>>) target(%dma_start3A_225 : memref<32768xf32, #tpu.memory_space<hbm>>) target_semaphore(%arg11 : memref<!tpu.dma_semaphore, #tpu.memory_space<semaphore_mem>>)
    %dma_wait3A_227 = tpu.memref_slice %arg4[%add3A_212] : memref<33554432xf32, #tpu.memory_space<hbm>> -> memref<32768xf32, #tpu.memory_space<hbm>>
    %dma_wait3A_228 = tpu.memref_slice %arg5[%mul3A_3] : memref<1572864xf32, #tpu.memory_space<vmem_shared>> -> memref<32768xf32, #tpu.memory_space<vmem_shared>>
    tpu.wait_dma2 semaphore(%arg10 : memref<!tpu.dma_semaphore, #tpu.memory_space<semaphore_mem>>) src(%dma_wait3A_228 : memref<32768xf32, #tpu.memory_space<vmem_shared>>) dst(%dma_wait3A_227 : memref<32768xf32, #tpu.memory_space<hbm>>)
    %add3A_229 = arith.constant 393216 : i32
    %add3A_230 = arith.addi %mul3A_20, %add3A_229 : i32
    %dma_start3A_231 = tpu.memref_slice %arg5[%mul3A_3] : memref<1572864xf32, #tpu.memory_space<vmem_shared>> -> memref<32768xf32, #tpu.memory_space<vmem_shared>>
    %dma_start3A_232 = tpu.memref_slice %arg2[%add3A_230] : memref<33554432xf32, #tpu.memory_space<hbm>> -> memref<32768xf32, #tpu.memory_space<hbm>>
    tpu.enqueue_dma source(%dma_start3A_232 : memref<32768xf32, #tpu.memory_space<hbm>>) target(%dma_start3A_231 : memref<32768xf32, #tpu.memory_space<vmem_shared>>) target_semaphore(%arg7 : memref<!tpu.dma_semaphore, #tpu.memory_space<semaphore_mem>>)
    %dma_wait3A_233 = tpu.memref_slice %arg5[%mul3A_15] : memref<1572864xf32, #tpu.memory_space<vmem_shared>> -> memref<32768xf32, #tpu.memory_space<vmem_shared>>
    %dma_wait3A_234 = tpu.memref_slice %arg2[%add3A_218] : memref<33554432xf32, #tpu.memory_space<hbm>> -> memref<32768xf32, #tpu.memory_space<hbm>>
    tpu.wait_dma2 semaphore(%arg9 : memref<!tpu.dma_semaphore, #tpu.memory_space<semaphore_mem>>) src(%dma_wait3A_234 : memref<32768xf32, #tpu.memory_space<hbm>>) dst(%dma_wait3A_233 : memref<32768xf32, #tpu.memory_space<vmem_shared>>)
    %add3A_235 = arith.constant 360448 : i32
    %add3A_236 = arith.addi %mul3A_20, %add3A_235 : i32
    %dma_start3A_237 = tpu.memref_slice %arg4[%add3A_236] : memref<33554432xf32, #tpu.memory_space<hbm>> -> memref<32768xf32, #tpu.memory_space<hbm>>
    %dma_start3A_238 = tpu.memref_slice %arg5[%mul3A_15] : memref<1572864xf32, #tpu.memory_space<vmem_shared>> -> memref<32768xf32, #tpu.memory_space<vmem_shared>>
    tpu.enqueue_dma source(%dma_start3A_238 : memref<32768xf32, #tpu.memory_space<vmem_shared>>) target(%dma_start3A_237 : memref<32768xf32, #tpu.memory_space<hbm>>) target_semaphore(%arg12 : memref<!tpu.dma_semaphore, #tpu.memory_space<semaphore_mem>>)
    %dma_wait3A_239 = tpu.memref_slice %arg4[%add3A_224] : memref<33554432xf32, #tpu.memory_space<hbm>> -> memref<32768xf32, #tpu.memory_space<hbm>>
    %dma_wait3A_240 = tpu.memref_slice %arg5[%mul3A_9] : memref<1572864xf32, #tpu.memory_space<vmem_shared>> -> memref<32768xf32, #tpu.memory_space<vmem_shared>>
    tpu.wait_dma2 semaphore(%arg11 : memref<!tpu.dma_semaphore, #tpu.memory_space<semaphore_mem>>) src(%dma_wait3A_240 : memref<32768xf32, #tpu.memory_space<vmem_shared>>) dst(%dma_wait3A_239 : memref<32768xf32, #tpu.memory_space<hbm>>)
    %add3A_241 = arith.constant 425984 : i32
    %add3A_242 = arith.addi %mul3A_20, %add3A_241 : i32
    %dma_start3A_243 = tpu.memref_slice %arg5[%mul3A_9] : memref<1572864xf32, #tpu.memory_space<vmem_shared>> -> memref<32768xf32, #tpu.memory_space<vmem_shared>>
    %dma_start3A_244 = tpu.memref_slice %arg2[%add3A_242] : memref<33554432xf32, #tpu.memory_space<hbm>> -> memref<32768xf32, #tpu.memory_space<hbm>>
    tpu.enqueue_dma source(%dma_start3A_244 : memref<32768xf32, #tpu.memory_space<hbm>>) target(%dma_start3A_243 : memref<32768xf32, #tpu.memory_space<vmem_shared>>) target_semaphore(%arg8 : memref<!tpu.dma_semaphore, #tpu.memory_space<semaphore_mem>>)
    %dma_wait3A_245 = tpu.memref_slice %arg5[%mul3A_3] : memref<1572864xf32, #tpu.memory_space<vmem_shared>> -> memref<32768xf32, #tpu.memory_space<vmem_shared>>
    %dma_wait3A_246 = tpu.memref_slice %arg2[%add3A_230] : memref<33554432xf32, #tpu.memory_space<hbm>> -> memref<32768xf32, #tpu.memory_space<hbm>>
    tpu.wait_dma2 semaphore(%arg7 : memref<!tpu.dma_semaphore, #tpu.memory_space<semaphore_mem>>) src(%dma_wait3A_246 : memref<32768xf32, #tpu.memory_space<hbm>>) dst(%dma_wait3A_245 : memref<32768xf32, #tpu.memory_space<vmem_shared>>)
    %add3A_247 = arith.constant 393216 : i32
    %add3A_248 = arith.addi %mul3A_20, %add3A_247 : i32
    %dma_start3A_249 = tpu.memref_slice %arg4[%add3A_248] : memref<33554432xf32, #tpu.memory_space<hbm>> -> memref<32768xf32, #tpu.memory_space<hbm>>
    %dma_start3A_250 = tpu.memref_slice %arg5[%mul3A_3] : memref<1572864xf32, #tpu.memory_space<vmem_shared>> -> memref<32768xf32, #tpu.memory_space<vmem_shared>>
    tpu.enqueue_dma source(%dma_start3A_250 : memref<32768xf32, #tpu.memory_space<vmem_shared>>) target(%dma_start3A_249 : memref<32768xf32, #tpu.memory_space<hbm>>) target_semaphore(%arg10 : memref<!tpu.dma_semaphore, #tpu.memory_space<semaphore_mem>>)
    %dma_wait3A_251 = tpu.memref_slice %arg4[%add3A_236] : memref<33554432xf32, #tpu.memory_space<hbm>> -> memref<32768xf32, #tpu.memory_space<hbm>>
    %dma_wait3A_252 = tpu.memref_slice %arg5[%mul3A_15] : memref<1572864xf32, #tpu.memory_space<vmem_shared>> -> memref<32768xf32, #tpu.memory_space<vmem_shared>>
    tpu.wait_dma2 semaphore(%arg12 : memref<!tpu.dma_semaphore, #tpu.memory_space<semaphore_mem>>) src(%dma_wait3A_252 : memref<32768xf32, #tpu.memory_space<vmem_shared>>) dst(%dma_wait3A_251 : memref<32768xf32, #tpu.memory_space<hbm>>)
    %add3A_253 = arith.constant 458752 : i32
    %add3A_254 = arith.addi %mul3A_20, %add3A_253 : i32
    %dma_start3A_255 = tpu.memref_slice %arg5[%mul3A_15] : memref<1572864xf32, #tpu.memory_space<vmem_shared>> -> memref<32768xf32, #tpu.memory_space<vmem_shared>>
    %dma_start3A_256 = tpu.memref_slice %arg2[%add3A_254] : memref<33554432xf32, #tpu.memory_space<hbm>> -> memref<32768xf32, #tpu.memory_space<hbm>>
    tpu.enqueue_dma source(%dma_start3A_256 : memref<32768xf32, #tpu.memory_space<hbm>>) target(%dma_start3A_255 : memref<32768xf32, #tpu.memory_space<vmem_shared>>) target_semaphore(%arg9 : memref<!tpu.dma_semaphore, #tpu.memory_space<semaphore_mem>>)
    %dma_wait3A_257 = tpu.memref_slice %arg5[%mul3A_9] : memref<1572864xf32, #tpu.memory_space<vmem_shared>> -> memref<32768xf32, #tpu.memory_space<vmem_shared>>
    %dma_wait3A_258 = tpu.memref_slice %arg2[%add3A_242] : memref<33554432xf32, #tpu.memory_space<hbm>> -> memref<32768xf32, #tpu.memory_space<hbm>>
    tpu.wait_dma2 semaphore(%arg8 : memref<!tpu.dma_semaphore, #tpu.memory_space<semaphore_mem>>) src(%dma_wait3A_258 : memref<32768xf32, #tpu.memory_space<hbm>>) dst(%dma_wait3A_257 : memref<32768xf32, #tpu.memory_space<vmem_shared>>)
    %add3A_259 = arith.constant 425984 : i32
    %add3A_260 = arith.addi %mul3A_20, %add3A_259 : i32
    %dma_start3A_261 = tpu.memref_slice %arg4[%add3A_260] : memref<33554432xf32, #tpu.memory_space<hbm>> -> memref<32768xf32, #tpu.memory_space<hbm>>
    %dma_start3A_262 = tpu.memref_slice %arg5[%mul3A_9] : memref<1572864xf32, #tpu.memory_space<vmem_shared>> -> memref<32768xf32, #tpu.memory_space<vmem_shared>>
    tpu.enqueue_dma source(%dma_start3A_262 : memref<32768xf32, #tpu.memory_space<vmem_shared>>) target(%dma_start3A_261 : memref<32768xf32, #tpu.memory_space<hbm>>) target_semaphore(%arg11 : memref<!tpu.dma_semaphore, #tpu.memory_space<semaphore_mem>>)
    %dma_wait3A_263 = tpu.memref_slice %arg4[%add3A_248] : memref<33554432xf32, #tpu.memory_space<hbm>> -> memref<32768xf32, #tpu.memory_space<hbm>>
    %dma_wait3A_264 = tpu.memref_slice %arg5[%mul3A_3] : memref<1572864xf32, #tpu.memory_space<vmem_shared>> -> memref<32768xf32, #tpu.memory_space<vmem_shared>>
    tpu.wait_dma2 semaphore(%arg10 : memref<!tpu.dma_semaphore, #tpu.memory_space<semaphore_mem>>) src(%dma_wait3A_264 : memref<32768xf32, #tpu.memory_space<vmem_shared>>) dst(%dma_wait3A_263 : memref<32768xf32, #tpu.memory_space<hbm>>)
    %add3A_265 = arith.constant 491520 : i32
    %add3A_266 = arith.addi %mul3A_20, %add3A_265 : i32
    %dma_start3A_267 = tpu.memref_slice %arg5[%mul3A_3] : memref<1572864xf32, #tpu.memory_space<vmem_shared>> -> memref<32768xf32, #tpu.memory_space<vmem_shared>>
    %dma_start3A_268 = tpu.memref_slice %arg2[%add3A_266] : memref<33554432xf32, #tpu.memory_space<hbm>> -> memref<32768xf32, #tpu.memory_space<hbm>>
    tpu.enqueue_dma source(%dma_start3A_268 : memref<32768xf32, #tpu.memory_space<hbm>>) target(%dma_start3A_267 : memref<32768xf32, #tpu.memory_space<vmem_shared>>) target_semaphore(%arg7 : memref<!tpu.dma_semaphore, #tpu.memory_space<semaphore_mem>>)
    %dma_wait3A_269 = tpu.memref_slice %arg5[%mul3A_15] : memref<1572864xf32, #tpu.memory_space<vmem_shared>> -> memref<32768xf32, #tpu.memory_space<vmem_shared>>
    %dma_wait3A_270 = tpu.memref_slice %arg2[%add3A_254] : memref<33554432xf32, #tpu.memory_space<hbm>> -> memref<32768xf32, #tpu.memory_space<hbm>>
    tpu.wait_dma2 semaphore(%arg9 : memref<!tpu.dma_semaphore, #tpu.memory_space<semaphore_mem>>) src(%dma_wait3A_270 : memref<32768xf32, #tpu.memory_space<hbm>>) dst(%dma_wait3A_269 : memref<32768xf32, #tpu.memory_space<vmem_shared>>)
    %add3A_271 = arith.constant 458752 : i32
    %add3A_272 = arith.addi %mul3A_20, %add3A_271 : i32
    %dma_start3A_273 = tpu.memref_slice %arg4[%add3A_272] : memref<33554432xf32, #tpu.memory_space<hbm>> -> memref<32768xf32, #tpu.memory_space<hbm>>
    %dma_start3A_274 = tpu.memref_slice %arg5[%mul3A_15] : memref<1572864xf32, #tpu.memory_space<vmem_shared>> -> memref<32768xf32, #tpu.memory_space<vmem_shared>>
    tpu.enqueue_dma source(%dma_start3A_274 : memref<32768xf32, #tpu.memory_space<vmem_shared>>) target(%dma_start3A_273 : memref<32768xf32, #tpu.memory_space<hbm>>) target_semaphore(%arg12 : memref<!tpu.dma_semaphore, #tpu.memory_space<semaphore_mem>>)
    %dma_wait3A_275 = tpu.memref_slice %arg4[%add3A_260] : memref<33554432xf32, #tpu.memory_space<hbm>> -> memref<32768xf32, #tpu.memory_space<hbm>>
    %dma_wait3A_276 = tpu.memref_slice %arg5[%mul3A_9] : memref<1572864xf32, #tpu.memory_space<vmem_shared>> -> memref<32768xf32, #tpu.memory_space<vmem_shared>>
    tpu.wait_dma2 semaphore(%arg11 : memref<!tpu.dma_semaphore, #tpu.memory_space<semaphore_mem>>) src(%dma_wait3A_276 : memref<32768xf32, #tpu.memory_space<vmem_shared>>) dst(%dma_wait3A_275 : memref<32768xf32, #tpu.memory_space<hbm>>)
    %add3A_277 = arith.constant 524288 : i32
    %add3A_278 = arith.addi %mul3A_20, %add3A_277 : i32
    %dma_start3A_279 = tpu.memref_slice %arg5[%mul3A_9] : memref<1572864xf32, #tpu.memory_space<vmem_shared>> -> memref<32768xf32, #tpu.memory_space<vmem_shared>>
    %dma_start3A_280 = tpu.memref_slice %arg2[%add3A_278] : memref<33554432xf32, #tpu.memory_space<hbm>> -> memref<32768xf32, #tpu.memory_space<hbm>>
    tpu.enqueue_dma source(%dma_start3A_280 : memref<32768xf32, #tpu.memory_space<hbm>>) target(%dma_start3A_279 : memref<32768xf32, #tpu.memory_space<vmem_shared>>) target_semaphore(%arg8 : memref<!tpu.dma_semaphore, #tpu.memory_space<semaphore_mem>>)
    %dma_wait3A_281 = tpu.memref_slice %arg5[%mul3A_3] : memref<1572864xf32, #tpu.memory_space<vmem_shared>> -> memref<32768xf32, #tpu.memory_space<vmem_shared>>
    %dma_wait3A_282 = tpu.memref_slice %arg2[%add3A_266] : memref<33554432xf32, #tpu.memory_space<hbm>> -> memref<32768xf32, #tpu.memory_space<hbm>>
    tpu.wait_dma2 semaphore(%arg7 : memref<!tpu.dma_semaphore, #tpu.memory_space<semaphore_mem>>) src(%dma_wait3A_282 : memref<32768xf32, #tpu.memory_space<hbm>>) dst(%dma_wait3A_281 : memref<32768xf32, #tpu.memory_space<vmem_shared>>)
    %add3A_283 = arith.constant 491520 : i32
    %add3A_284 = arith.addi %mul3A_20, %add3A_283 : i32
    %dma_start3A_285 = tpu.memref_slice %arg4[%add3A_284] : memref<33554432xf32, #tpu.memory_space<hbm>> -> memref<32768xf32, #tpu.memory_space<hbm>>
    %dma_start3A_286 = tpu.memref_slice %arg5[%mul3A_3] : memref<1572864xf32, #tpu.memory_space<vmem_shared>> -> memref<32768xf32, #tpu.memory_space<vmem_shared>>
    tpu.enqueue_dma source(%dma_start3A_286 : memref<32768xf32, #tpu.memory_space<vmem_shared>>) target(%dma_start3A_285 : memref<32768xf32, #tpu.memory_space<hbm>>) target_semaphore(%arg10 : memref<!tpu.dma_semaphore, #tpu.memory_space<semaphore_mem>>)
    %dma_wait3A_287 = tpu.memref_slice %arg4[%add3A_272] : memref<33554432xf32, #tpu.memory_space<hbm>> -> memref<32768xf32, #tpu.memory_space<hbm>>
    %dma_wait3A_288 = tpu.memref_slice %arg5[%mul3A_15] : memref<1572864xf32, #tpu.memory_space<vmem_shared>> -> memref<32768xf32, #tpu.memory_space<vmem_shared>>
    tpu.wait_dma2 semaphore(%arg12 : memref<!tpu.dma_semaphore, #tpu.memory_space<semaphore_mem>>) src(%dma_wait3A_288 : memref<32768xf32, #tpu.memory_space<vmem_shared>>) dst(%dma_wait3A_287 : memref<32768xf32, #tpu.memory_space<hbm>>)
    %add3A_289 = arith.constant 557056 : i32
    %add3A_290 = arith.addi %mul3A_20, %add3A_289 : i32
    %dma_start3A_291 = tpu.memref_slice %arg5[%mul3A_15] : memref<1572864xf32, #tpu.memory_space<vmem_shared>> -> memref<32768xf32, #tpu.memory_space<vmem_shared>>
    %dma_start3A_292 = tpu.memref_slice %arg2[%add3A_290] : memref<33554432xf32, #tpu.memory_space<hbm>> -> memref<32768xf32, #tpu.memory_space<hbm>>
    tpu.enqueue_dma source(%dma_start3A_292 : memref<32768xf32, #tpu.memory_space<hbm>>) target(%dma_start3A_291 : memref<32768xf32, #tpu.memory_space<vmem_shared>>) target_semaphore(%arg9 : memref<!tpu.dma_semaphore, #tpu.memory_space<semaphore_mem>>)
    %dma_wait3A_293 = tpu.memref_slice %arg5[%mul3A_9] : memref<1572864xf32, #tpu.memory_space<vmem_shared>> -> memref<32768xf32, #tpu.memory_space<vmem_shared>>
    %dma_wait3A_294 = tpu.memref_slice %arg2[%add3A_278] : memref<33554432xf32, #tpu.memory_space<hbm>> -> memref<32768xf32, #tpu.memory_space<hbm>>
    tpu.wait_dma2 semaphore(%arg8 : memref<!tpu.dma_semaphore, #tpu.memory_space<semaphore_mem>>) src(%dma_wait3A_294 : memref<32768xf32, #tpu.memory_space<hbm>>) dst(%dma_wait3A_293 : memref<32768xf32, #tpu.memory_space<vmem_shared>>)
    %add3A_295 = arith.constant 524288 : i32
    %add3A_296 = arith.addi %mul3A_20, %add3A_295 : i32
    %dma_start3A_297 = tpu.memref_slice %arg4[%add3A_296] : memref<33554432xf32, #tpu.memory_space<hbm>> -> memref<32768xf32, #tpu.memory_space<hbm>>
    %dma_start3A_298 = tpu.memref_slice %arg5[%mul3A_9] : memref<1572864xf32, #tpu.memory_space<vmem_shared>> -> memref<32768xf32, #tpu.memory_space<vmem_shared>>
    tpu.enqueue_dma source(%dma_start3A_298 : memref<32768xf32, #tpu.memory_space<vmem_shared>>) target(%dma_start3A_297 : memref<32768xf32, #tpu.memory_space<hbm>>) target_semaphore(%arg11 : memref<!tpu.dma_semaphore, #tpu.memory_space<semaphore_mem>>)
    %dma_wait3A_299 = tpu.memref_slice %arg4[%add3A_284] : memref<33554432xf32, #tpu.memory_space<hbm>> -> memref<32768xf32, #tpu.memory_space<hbm>>
    %dma_wait3A_300 = tpu.memref_slice %arg5[%mul3A_3] : memref<1572864xf32, #tpu.memory_space<vmem_shared>> -> memref<32768xf32, #tpu.memory_space<vmem_shared>>
    tpu.wait_dma2 semaphore(%arg10 : memref<!tpu.dma_semaphore, #tpu.memory_space<semaphore_mem>>) src(%dma_wait3A_300 : memref<32768xf32, #tpu.memory_space<vmem_shared>>) dst(%dma_wait3A_299 : memref<32768xf32, #tpu.memory_space<hbm>>)
    %add3A_301 = arith.constant 589824 : i32
    %add3A_302 = arith.addi %mul3A_20, %add3A_301 : i32
    %dma_start3A_303 = tpu.memref_slice %arg5[%mul3A_3] : memref<1572864xf32, #tpu.memory_space<vmem_shared>> -> memref<32768xf32, #tpu.memory_space<vmem_shared>>
    %dma_start3A_304 = tpu.memref_slice %arg2[%add3A_302] : memref<33554432xf32, #tpu.memory_space<hbm>> -> memref<32768xf32, #tpu.memory_space<hbm>>
    tpu.enqueue_dma source(%dma_start3A_304 : memref<32768xf32, #tpu.memory_space<hbm>>) target(%dma_start3A_303 : memref<32768xf32, #tpu.memory_space<vmem_shared>>) target_semaphore(%arg7 : memref<!tpu.dma_semaphore, #tpu.memory_space<semaphore_mem>>)
    %dma_wait3A_305 = tpu.memref_slice %arg5[%mul3A_15] : memref<1572864xf32, #tpu.memory_space<vmem_shared>> -> memref<32768xf32, #tpu.memory_space<vmem_shared>>
    %dma_wait3A_306 = tpu.memref_slice %arg2[%add3A_290] : memref<33554432xf32, #tpu.memory_space<hbm>> -> memref<32768xf32, #tpu.memory_space<hbm>>
    tpu.wait_dma2 semaphore(%arg9 : memref<!tpu.dma_semaphore, #tpu.memory_space<semaphore_mem>>) src(%dma_wait3A_306 : memref<32768xf32, #tpu.memory_space<hbm>>) dst(%dma_wait3A_305 : memref<32768xf32, #tpu.memory_space<vmem_shared>>)
    %add3A_307 = arith.constant 557056 : i32
    %add3A_308 = arith.addi %mul3A_20, %add3A_307 : i32
    %dma_start3A_309 = tpu.memref_slice %arg4[%add3A_308] : memref<33554432xf32, #tpu.memory_space<hbm>> -> memref<32768xf32, #tpu.memory_space<hbm>>
    %dma_start3A_310 = tpu.memref_slice %arg5[%mul3A_15] : memref<1572864xf32, #tpu.memory_space<vmem_shared>> -> memref<32768xf32, #tpu.memory_space<vmem_shared>>
    tpu.enqueue_dma source(%dma_start3A_310 : memref<32768xf32, #tpu.memory_space<vmem_shared>>) target(%dma_start3A_309 : memref<32768xf32, #tpu.memory_space<hbm>>) target_semaphore(%arg12 : memref<!tpu.dma_semaphore, #tpu.memory_space<semaphore_mem>>)
    %dma_wait3A_311 = tpu.memref_slice %arg4[%add3A_296] : memref<33554432xf32, #tpu.memory_space<hbm>> -> memref<32768xf32, #tpu.memory_space<hbm>>
    %dma_wait3A_312 = tpu.memref_slice %arg5[%mul3A_9] : memref<1572864xf32, #tpu.memory_space<vmem_shared>> -> memref<32768xf32, #tpu.memory_space<vmem_shared>>
    tpu.wait_dma2 semaphore(%arg11 : memref<!tpu.dma_semaphore, #tpu.memory_space<semaphore_mem>>) src(%dma_wait3A_312 : memref<32768xf32, #tpu.memory_space<vmem_shared>>) dst(%dma_wait3A_311 : memref<32768xf32, #tpu.memory_space<hbm>>)
    %add3A_313 = arith.constant 622592 : i32
    %add3A_314 = arith.addi %mul3A_20, %add3A_313 : i32
    %dma_start3A_315 = tpu.memref_slice %arg5[%mul3A_9] : memref<1572864xf32, #tpu.memory_space<vmem_shared>> -> memref<32768xf32, #tpu.memory_space<vmem_shared>>
    %dma_start3A_316 = tpu.memref_slice %arg2[%add3A_314] : memref<33554432xf32, #tpu.memory_space<hbm>> -> memref<32768xf32, #tpu.memory_space<hbm>>
    tpu.enqueue_dma source(%dma_start3A_316 : memref<32768xf32, #tpu.memory_space<hbm>>) target(%dma_start3A_315 : memref<32768xf32, #tpu.memory_space<vmem_shared>>) target_semaphore(%arg8 : memref<!tpu.dma_semaphore, #tpu.memory_space<semaphore_mem>>)
    %dma_wait3A_317 = tpu.memref_slice %arg5[%mul3A_3] : memref<1572864xf32, #tpu.memory_space<vmem_shared>> -> memref<32768xf32, #tpu.memory_space<vmem_shared>>
    %dma_wait3A_318 = tpu.memref_slice %arg2[%add3A_302] : memref<33554432xf32, #tpu.memory_space<hbm>> -> memref<32768xf32, #tpu.memory_space<hbm>>
    tpu.wait_dma2 semaphore(%arg7 : memref<!tpu.dma_semaphore, #tpu.memory_space<semaphore_mem>>) src(%dma_wait3A_318 : memref<32768xf32, #tpu.memory_space<hbm>>) dst(%dma_wait3A_317 : memref<32768xf32, #tpu.memory_space<vmem_shared>>)
    %add3A_319 = arith.constant 589824 : i32
    %add3A_320 = arith.addi %mul3A_20, %add3A_319 : i32
    %dma_start3A_321 = tpu.memref_slice %arg4[%add3A_320] : memref<33554432xf32, #tpu.memory_space<hbm>> -> memref<32768xf32, #tpu.memory_space<hbm>>
    %dma_start3A_322 = tpu.memref_slice %arg5[%mul3A_3] : memref<1572864xf32, #tpu.memory_space<vmem_shared>> -> memref<32768xf32, #tpu.memory_space<vmem_shared>>
    tpu.enqueue_dma source(%dma_start3A_322 : memref<32768xf32, #tpu.memory_space<vmem_shared>>) target(%dma_start3A_321 : memref<32768xf32, #tpu.memory_space<hbm>>) target_semaphore(%arg10 : memref<!tpu.dma_semaphore, #tpu.memory_space<semaphore_mem>>)
    %dma_wait3A_323 = tpu.memref_slice %arg4[%add3A_308] : memref<33554432xf32, #tpu.memory_space<hbm>> -> memref<32768xf32, #tpu.memory_space<hbm>>
    %dma_wait3A_324 = tpu.memref_slice %arg5[%mul3A_15] : memref<1572864xf32, #tpu.memory_space<vmem_shared>> -> memref<32768xf32, #tpu.memory_space<vmem_shared>>
    tpu.wait_dma2 semaphore(%arg12 : memref<!tpu.dma_semaphore, #tpu.memory_space<semaphore_mem>>) src(%dma_wait3A_324 : memref<32768xf32, #tpu.memory_space<vmem_shared>>) dst(%dma_wait3A_323 : memref<32768xf32, #tpu.memory_space<hbm>>)
    %add3A_325 = arith.constant 655360 : i32
    %add3A_326 = arith.addi %mul3A_20, %add3A_325 : i32
    %dma_start3A_327 = tpu.memref_slice %arg5[%mul3A_15] : memref<1572864xf32, #tpu.memory_space<vmem_shared>> -> memref<32768xf32, #tpu.memory_space<vmem_shared>>
    %dma_start3A_328 = tpu.memref_slice %arg2[%add3A_326] : memref<33554432xf32, #tpu.memory_space<hbm>> -> memref<32768xf32, #tpu.memory_space<hbm>>
    tpu.enqueue_dma source(%dma_start3A_328 : memref<32768xf32, #tpu.memory_space<hbm>>) target(%dma_start3A_327 : memref<32768xf32, #tpu.memory_space<vmem_shared>>) target_semaphore(%arg9 : memref<!tpu.dma_semaphore, #tpu.memory_space<semaphore_mem>>)
    %dma_wait3A_329 = tpu.memref_slice %arg5[%mul3A_9] : memref<1572864xf32, #tpu.memory_space<vmem_shared>> -> memref<32768xf32, #tpu.memory_space<vmem_shared>>
    %dma_wait3A_330 = tpu.memref_slice %arg2[%add3A_314] : memref<33554432xf32, #tpu.memory_space<hbm>> -> memref<32768xf32, #tpu.memory_space<hbm>>
    tpu.wait_dma2 semaphore(%arg8 : memref<!tpu.dma_semaphore, #tpu.memory_space<semaphore_mem>>) src(%dma_wait3A_330 : memref<32768xf32, #tpu.memory_space<hbm>>) dst(%dma_wait3A_329 : memref<32768xf32, #tpu.memory_space<vmem_shared>>)
    %add3A_331 = arith.constant 622592 : i32
    %add3A_332 = arith.addi %mul3A_20, %add3A_331 : i32
    %dma_start3A_333 = tpu.memref_slice %arg4[%add3A_332] : memref<33554432xf32, #tpu.memory_space<hbm>> -> memref<32768xf32, #tpu.memory_space<hbm>>
    %dma_start3A_334 = tpu.memref_slice %arg5[%mul3A_9] : memref<1572864xf32, #tpu.memory_space<vmem_shared>> -> memref<32768xf32, #tpu.memory_space<vmem_shared>>
    tpu.enqueue_dma source(%dma_start3A_334 : memref<32768xf32, #tpu.memory_space<vmem_shared>>) target(%dma_start3A_333 : memref<32768xf32, #tpu.memory_space<hbm>>) target_semaphore(%arg11 : memref<!tpu.dma_semaphore, #tpu.memory_space<semaphore_mem>>)
    %dma_wait3A_335 = tpu.memref_slice %arg4[%add3A_320] : memref<33554432xf32, #tpu.memory_space<hbm>> -> memref<32768xf32, #tpu.memory_space<hbm>>
    %dma_wait3A_336 = tpu.memref_slice %arg5[%mul3A_3] : memref<1572864xf32, #tpu.memory_space<vmem_shared>> -> memref<32768xf32, #tpu.memory_space<vmem_shared>>
    tpu.wait_dma2 semaphore(%arg10 : memref<!tpu.dma_semaphore, #tpu.memory_space<semaphore_mem>>) src(%dma_wait3A_336 : memref<32768xf32, #tpu.memory_space<vmem_shared>>) dst(%dma_wait3A_335 : memref<32768xf32, #tpu.memory_space<hbm>>)
    %add3A_337 = arith.constant 688128 : i32
    %add3A_338 = arith.addi %mul3A_20, %add3A_337 : i32
    %dma_start3A_339 = tpu.memref_slice %arg5[%mul3A_3] : memref<1572864xf32, #tpu.memory_space<vmem_shared>> -> memref<32768xf32, #tpu.memory_space<vmem_shared>>
    %dma_start3A_340 = tpu.memref_slice %arg2[%add3A_338] : memref<33554432xf32, #tpu.memory_space<hbm>> -> memref<32768xf32, #tpu.memory_space<hbm>>
    tpu.enqueue_dma source(%dma_start3A_340 : memref<32768xf32, #tpu.memory_space<hbm>>) target(%dma_start3A_339 : memref<32768xf32, #tpu.memory_space<vmem_shared>>) target_semaphore(%arg7 : memref<!tpu.dma_semaphore, #tpu.memory_space<semaphore_mem>>)
    %dma_wait3A_341 = tpu.memref_slice %arg5[%mul3A_15] : memref<1572864xf32, #tpu.memory_space<vmem_shared>> -> memref<32768xf32, #tpu.memory_space<vmem_shared>>
    %dma_wait3A_342 = tpu.memref_slice %arg2[%add3A_326] : memref<33554432xf32, #tpu.memory_space<hbm>> -> memref<32768xf32, #tpu.memory_space<hbm>>
    tpu.wait_dma2 semaphore(%arg9 : memref<!tpu.dma_semaphore, #tpu.memory_space<semaphore_mem>>) src(%dma_wait3A_342 : memref<32768xf32, #tpu.memory_space<hbm>>) dst(%dma_wait3A_341 : memref<32768xf32, #tpu.memory_space<vmem_shared>>)
    %add3A_343 = arith.constant 655360 : i32
    %add3A_344 = arith.addi %mul3A_20, %add3A_343 : i32
    %dma_start3A_345 = tpu.memref_slice %arg4[%add3A_344] : memref<33554432xf32, #tpu.memory_space<hbm>> -> memref<32768xf32, #tpu.memory_space<hbm>>
    %dma_start3A_346 = tpu.memref_slice %arg5[%mul3A_15] : memref<1572864xf32, #tpu.memory_space<vmem_shared>> -> memref<32768xf32, #tpu.memory_space<vmem_shared>>
    tpu.enqueue_dma source(%dma_start3A_346 : memref<32768xf32, #tpu.memory_space<vmem_shared>>) target(%dma_start3A_345 : memref<32768xf32, #tpu.memory_space<hbm>>) target_semaphore(%arg12 : memref<!tpu.dma_semaphore, #tpu.memory_space<semaphore_mem>>)
    %dma_wait3A_347 = tpu.memref_slice %arg4[%add3A_332] : memref<33554432xf32, #tpu.memory_space<hbm>> -> memref<32768xf32, #tpu.memory_space<hbm>>
    %dma_wait3A_348 = tpu.memref_slice %arg5[%mul3A_9] : memref<1572864xf32, #tpu.memory_space<vmem_shared>> -> memref<32768xf32, #tpu.memory_space<vmem_shared>>
    tpu.wait_dma2 semaphore(%arg11 : memref<!tpu.dma_semaphore, #tpu.memory_space<semaphore_mem>>) src(%dma_wait3A_348 : memref<32768xf32, #tpu.memory_space<vmem_shared>>) dst(%dma_wait3A_347 : memref<32768xf32, #tpu.memory_space<hbm>>)
    %add3A_349 = arith.constant 720896 : i32
    %add3A_350 = arith.addi %mul3A_20, %add3A_349 : i32
    %dma_start3A_351 = tpu.memref_slice %arg5[%mul3A_9] : memref<1572864xf32, #tpu.memory_space<vmem_shared>> -> memref<32768xf32, #tpu.memory_space<vmem_shared>>
    %dma_start3A_352 = tpu.memref_slice %arg2[%add3A_350] : memref<33554432xf32, #tpu.memory_space<hbm>> -> memref<32768xf32, #tpu.memory_space<hbm>>
    tpu.enqueue_dma source(%dma_start3A_352 : memref<32768xf32, #tpu.memory_space<hbm>>) target(%dma_start3A_351 : memref<32768xf32, #tpu.memory_space<vmem_shared>>) target_semaphore(%arg8 : memref<!tpu.dma_semaphore, #tpu.memory_space<semaphore_mem>>)
    %dma_wait3A_353 = tpu.memref_slice %arg5[%mul3A_3] : memref<1572864xf32, #tpu.memory_space<vmem_shared>> -> memref<32768xf32, #tpu.memory_space<vmem_shared>>
    %dma_wait3A_354 = tpu.memref_slice %arg2[%add3A_338] : memref<33554432xf32, #tpu.memory_space<hbm>> -> memref<32768xf32, #tpu.memory_space<hbm>>
    tpu.wait_dma2 semaphore(%arg7 : memref<!tpu.dma_semaphore, #tpu.memory_space<semaphore_mem>>) src(%dma_wait3A_354 : memref<32768xf32, #tpu.memory_space<hbm>>) dst(%dma_wait3A_353 : memref<32768xf32, #tpu.memory_space<vmem_shared>>)
    %add3A_355 = arith.constant 688128 : i32
    %add3A_356 = arith.addi %mul3A_20, %add3A_355 : i32
    %dma_start3A_357 = tpu.memref_slice %arg4[%add3A_356] : memref<33554432xf32, #tpu.memory_space<hbm>> -> memref<32768xf32, #tpu.memory_space<hbm>>
    %dma_start3A_358 = tpu.memref_slice %arg5[%mul3A_3] : memref<1572864xf32, #tpu.memory_space<vmem_shared>> -> memref<32768xf32, #tpu.memory_space<vmem_shared>>
    tpu.enqueue_dma source(%dma_start3A_358 : memref<32768xf32, #tpu.memory_space<vmem_shared>>) target(%dma_start3A_357 : memref<32768xf32, #tpu.memory_space<hbm>>) target_semaphore(%arg10 : memref<!tpu.dma_semaphore, #tpu.memory_space<semaphore_mem>>)
    %dma_wait3A_359 = tpu.memref_slice %arg4[%add3A_344] : memref<33554432xf32, #tpu.memory_space<hbm>> -> memref<32768xf32, #tpu.memory_space<hbm>>
    %dma_wait3A_360 = tpu.memref_slice %arg5[%mul3A_15] : memref<1572864xf32, #tpu.memory_space<vmem_shared>> -> memref<32768xf32, #tpu.memory_space<vmem_shared>>
    tpu.wait_dma2 semaphore(%arg12 : memref<!tpu.dma_semaphore, #tpu.memory_space<semaphore_mem>>) src(%dma_wait3A_360 : memref<32768xf32, #tpu.memory_space<vmem_shared>>) dst(%dma_wait3A_359 : memref<32768xf32, #tpu.memory_space<hbm>>)
    %add3A_361 = arith.constant 753664 : i32
    %add3A_362 = arith.addi %mul3A_20, %add3A_361 : i32
    %dma_start3A_363 = tpu.memref_slice %arg5[%mul3A_15] : memref<1572864xf32, #tpu.memory_space<vmem_shared>> -> memref<32768xf32, #tpu.memory_space<vmem_shared>>
    %dma_start3A_364 = tpu.memref_slice %arg2[%add3A_362] : memref<33554432xf32, #tpu.memory_space<hbm>> -> memref<32768xf32, #tpu.memory_space<hbm>>
    tpu.enqueue_dma source(%dma_start3A_364 : memref<32768xf32, #tpu.memory_space<hbm>>) target(%dma_start3A_363 : memref<32768xf32, #tpu.memory_space<vmem_shared>>) target_semaphore(%arg9 : memref<!tpu.dma_semaphore, #tpu.memory_space<semaphore_mem>>)
    %dma_wait3A_365 = tpu.memref_slice %arg5[%mul3A_9] : memref<1572864xf32, #tpu.memory_space<vmem_shared>> -> memref<32768xf32, #tpu.memory_space<vmem_shared>>
    %dma_wait3A_366 = tpu.memref_slice %arg2[%add3A_350] : memref<33554432xf32, #tpu.memory_space<hbm>> -> memref<32768xf32, #tpu.memory_space<hbm>>
    tpu.wait_dma2 semaphore(%arg8 : memref<!tpu.dma_semaphore, #tpu.memory_space<semaphore_mem>>) src(%dma_wait3A_366 : memref<32768xf32, #tpu.memory_space<hbm>>) dst(%dma_wait3A_365 : memref<32768xf32, #tpu.memory_space<vmem_shared>>)
    %add3A_367 = arith.constant 720896 : i32
    %add3A_368 = arith.addi %mul3A_20, %add3A_367 : i32
    %dma_start3A_369 = tpu.memref_slice %arg4[%add3A_368] : memref<33554432xf32, #tpu.memory_space<hbm>> -> memref<32768xf32, #tpu.memory_space<hbm>>
    %dma_start3A_370 = tpu.memref_slice %arg5[%mul3A_9] : memref<1572864xf32, #tpu.memory_space<vmem_shared>> -> memref<32768xf32, #tpu.memory_space<vmem_shared>>
    tpu.enqueue_dma source(%dma_start3A_370 : memref<32768xf32, #tpu.memory_space<vmem_shared>>) target(%dma_start3A_369 : memref<32768xf32, #tpu.memory_space<hbm>>) target_semaphore(%arg11 : memref<!tpu.dma_semaphore, #tpu.memory_space<semaphore_mem>>)
    %dma_wait3A_371 = tpu.memref_slice %arg4[%add3A_356] : memref<33554432xf32, #tpu.memory_space<hbm>> -> memref<32768xf32, #tpu.memory_space<hbm>>
    %dma_wait3A_372 = tpu.memref_slice %arg5[%mul3A_3] : memref<1572864xf32, #tpu.memory_space<vmem_shared>> -> memref<32768xf32, #tpu.memory_space<vmem_shared>>
    tpu.wait_dma2 semaphore(%arg10 : memref<!tpu.dma_semaphore, #tpu.memory_space<semaphore_mem>>) src(%dma_wait3A_372 : memref<32768xf32, #tpu.memory_space<vmem_shared>>) dst(%dma_wait3A_371 : memref<32768xf32, #tpu.memory_space<hbm>>)
    %add3A_373 = arith.constant 786432 : i32
    %add3A_374 = arith.addi %mul3A_20, %add3A_373 : i32
    %dma_start3A_375 = tpu.memref_slice %arg5[%mul3A_3] : memref<1572864xf32, #tpu.memory_space<vmem_shared>> -> memref<32768xf32, #tpu.memory_space<vmem_shared>>
    %dma_start3A_376 = tpu.memref_slice %arg2[%add3A_374] : memref<33554432xf32, #tpu.memory_space<hbm>> -> memref<32768xf32, #tpu.memory_space<hbm>>
    tpu.enqueue_dma source(%dma_start3A_376 : memref<32768xf32, #tpu.memory_space<hbm>>) target(%dma_start3A_375 : memref<32768xf32, #tpu.memory_space<vmem_shared>>) target_semaphore(%arg7 : memref<!tpu.dma_semaphore, #tpu.memory_space<semaphore_mem>>)
    %dma_wait3A_377 = tpu.memref_slice %arg5[%mul3A_15] : memref<1572864xf32, #tpu.memory_space<vmem_shared>> -> memref<32768xf32, #tpu.memory_space<vmem_shared>>
    %dma_wait3A_378 = tpu.memref_slice %arg2[%add3A_362] : memref<33554432xf32, #tpu.memory_space<hbm>> -> memref<32768xf32, #tpu.memory_space<hbm>>
    tpu.wait_dma2 semaphore(%arg9 : memref<!tpu.dma_semaphore, #tpu.memory_space<semaphore_mem>>) src(%dma_wait3A_378 : memref<32768xf32, #tpu.memory_space<hbm>>) dst(%dma_wait3A_377 : memref<32768xf32, #tpu.memory_space<vmem_shared>>)
    %add3A_379 = arith.constant 753664 : i32
    %add3A_380 = arith.addi %mul3A_20, %add3A_379 : i32
    %dma_start3A_381 = tpu.memref_slice %arg4[%add3A_380] : memref<33554432xf32, #tpu.memory_space<hbm>> -> memref<32768xf32, #tpu.memory_space<hbm>>
    %dma_start3A_382 = tpu.memref_slice %arg5[%mul3A_15] : memref<1572864xf32, #tpu.memory_space<vmem_shared>> -> memref<32768xf32, #tpu.memory_space<vmem_shared>>
    tpu.enqueue_dma source(%dma_start3A_382 : memref<32768xf32, #tpu.memory_space<vmem_shared>>) target(%dma_start3A_381 : memref<32768xf32, #tpu.memory_space<hbm>>) target_semaphore(%arg12 : memref<!tpu.dma_semaphore, #tpu.memory_space<semaphore_mem>>)
    %dma_wait3A_383 = tpu.memref_slice %arg4[%add3A_368] : memref<33554432xf32, #tpu.memory_space<hbm>> -> memref<32768xf32, #tpu.memory_space<hbm>>
    %dma_wait3A_384 = tpu.memref_slice %arg5[%mul3A_9] : memref<1572864xf32, #tpu.memory_space<vmem_shared>> -> memref<32768xf32, #tpu.memory_space<vmem_shared>>
    tpu.wait_dma2 semaphore(%arg11 : memref<!tpu.dma_semaphore, #tpu.memory_space<semaphore_mem>>) src(%dma_wait3A_384 : memref<32768xf32, #tpu.memory_space<vmem_shared>>) dst(%dma_wait3A_383 : memref<32768xf32, #tpu.memory_space<hbm>>)
    %add3A_385 = arith.constant 819200 : i32
    %add3A_386 = arith.addi %mul3A_20, %add3A_385 : i32
    %dma_start3A_387 = tpu.memref_slice %arg5[%mul3A_9] : memref<1572864xf32, #tpu.memory_space<vmem_shared>> -> memref<32768xf32, #tpu.memory_space<vmem_shared>>
    %dma_start3A_388 = tpu.memref_slice %arg2[%add3A_386] : memref<33554432xf32, #tpu.memory_space<hbm>> -> memref<32768xf32, #tpu.memory_space<hbm>>
    tpu.enqueue_dma source(%dma_start3A_388 : memref<32768xf32, #tpu.memory_space<hbm>>) target(%dma_start3A_387 : memref<32768xf32, #tpu.memory_space<vmem_shared>>) target_semaphore(%arg8 : memref<!tpu.dma_semaphore, #tpu.memory_space<semaphore_mem>>)
    %dma_wait3A_389 = tpu.memref_slice %arg5[%mul3A_3] : memref<1572864xf32, #tpu.memory_space<vmem_shared>> -> memref<32768xf32, #tpu.memory_space<vmem_shared>>
    %dma_wait3A_390 = tpu.memref_slice %arg2[%add3A_374] : memref<33554432xf32, #tpu.memory_space<hbm>> -> memref<32768xf32, #tpu.memory_space<hbm>>
    tpu.wait_dma2 semaphore(%arg7 : memref<!tpu.dma_semaphore, #tpu.memory_space<semaphore_mem>>) src(%dma_wait3A_390 : memref<32768xf32, #tpu.memory_space<hbm>>) dst(%dma_wait3A_389 : memref<32768xf32, #tpu.memory_space<vmem_shared>>)
    %add3A_391 = arith.constant 786432 : i32
    %add3A_392 = arith.addi %mul3A_20, %add3A_391 : i32
    %dma_start3A_393 = tpu.memref_slice %arg4[%add3A_392] : memref<33554432xf32, #tpu.memory_space<hbm>> -> memref<32768xf32, #tpu.memory_space<hbm>>
    %dma_start3A_394 = tpu.memref_slice %arg5[%mul3A_3] : memref<1572864xf32, #tpu.memory_space<vmem_shared>> -> memref<32768xf32, #tpu.memory_space<vmem_shared>>
    tpu.enqueue_dma source(%dma_start3A_394 : memref<32768xf32, #tpu.memory_space<vmem_shared>>) target(%dma_start3A_393 : memref<32768xf32, #tpu.memory_space<hbm>>) target_semaphore(%arg10 : memref<!tpu.dma_semaphore, #tpu.memory_space<semaphore_mem>>)
    %dma_wait3A_395 = tpu.memref_slice %arg4[%add3A_380] : memref<33554432xf32, #tpu.memory_space<hbm>> -> memref<32768xf32, #tpu.memory_space<hbm>>
    %dma_wait3A_396 = tpu.memref_slice %arg5[%mul3A_15] : memref<1572864xf32, #tpu.memory_space<vmem_shared>> -> memref<32768xf32, #tpu.memory_space<vmem_shared>>
    tpu.wait_dma2 semaphore(%arg12 : memref<!tpu.dma_semaphore, #tpu.memory_space<semaphore_mem>>) src(%dma_wait3A_396 : memref<32768xf32, #tpu.memory_space<vmem_shared>>) dst(%dma_wait3A_395 : memref<32768xf32, #tpu.memory_space<hbm>>)
    %add3A_397 = arith.constant 851968 : i32
    %add3A_398 = arith.addi %mul3A_20, %add3A_397 : i32
    %dma_start3A_399 = tpu.memref_slice %arg5[%mul3A_15] : memref<1572864xf32, #tpu.memory_space<vmem_shared>> -> memref<32768xf32, #tpu.memory_space<vmem_shared>>
    %dma_start3A_400 = tpu.memref_slice %arg2[%add3A_398] : memref<33554432xf32, #tpu.memory_space<hbm>> -> memref<32768xf32, #tpu.memory_space<hbm>>
    tpu.enqueue_dma source(%dma_start3A_400 : memref<32768xf32, #tpu.memory_space<hbm>>) target(%dma_start3A_399 : memref<32768xf32, #tpu.memory_space<vmem_shared>>) target_semaphore(%arg9 : memref<!tpu.dma_semaphore, #tpu.memory_space<semaphore_mem>>)
    %dma_wait3A_401 = tpu.memref_slice %arg5[%mul3A_9] : memref<1572864xf32, #tpu.memory_space<vmem_shared>> -> memref<32768xf32, #tpu.memory_space<vmem_shared>>
    %dma_wait3A_402 = tpu.memref_slice %arg2[%add3A_386] : memref<33554432xf32, #tpu.memory_space<hbm>> -> memref<32768xf32, #tpu.memory_space<hbm>>
    tpu.wait_dma2 semaphore(%arg8 : memref<!tpu.dma_semaphore, #tpu.memory_space<semaphore_mem>>) src(%dma_wait3A_402 : memref<32768xf32, #tpu.memory_space<hbm>>) dst(%dma_wait3A_401 : memref<32768xf32, #tpu.memory_space<vmem_shared>>)
    %add3A_403 = arith.constant 819200 : i32
    %add3A_404 = arith.addi %mul3A_20, %add3A_403 : i32
    %dma_start3A_405 = tpu.memref_slice %arg4[%add3A_404] : memref<33554432xf32, #tpu.memory_space<hbm>> -> memref<32768xf32, #tpu.memory_space<hbm>>
    %dma_start3A_406 = tpu.memref_slice %arg5[%mul3A_9] : memref<1572864xf32, #tpu.memory_space<vmem_shared>> -> memref<32768xf32, #tpu.memory_space<vmem_shared>>
    tpu.enqueue_dma source(%dma_start3A_406 : memref<32768xf32, #tpu.memory_space<vmem_shared>>) target(%dma_start3A_405 : memref<32768xf32, #tpu.memory_space<hbm>>) target_semaphore(%arg11 : memref<!tpu.dma_semaphore, #tpu.memory_space<semaphore_mem>>)
    %dma_wait3A_407 = tpu.memref_slice %arg4[%add3A_392] : memref<33554432xf32, #tpu.memory_space<hbm>> -> memref<32768xf32, #tpu.memory_space<hbm>>
    %dma_wait3A_408 = tpu.memref_slice %arg5[%mul3A_3] : memref<1572864xf32, #tpu.memory_space<vmem_shared>> -> memref<32768xf32, #tpu.memory_space<vmem_shared>>
    tpu.wait_dma2 semaphore(%arg10 : memref<!tpu.dma_semaphore, #tpu.memory_space<semaphore_mem>>) src(%dma_wait3A_408 : memref<32768xf32, #tpu.memory_space<vmem_shared>>) dst(%dma_wait3A_407 : memref<32768xf32, #tpu.memory_space<hbm>>)
    %add3A_409 = arith.constant 884736 : i32
    %add3A_410 = arith.addi %mul3A_20, %add3A_409 : i32
    %dma_start3A_411 = tpu.memref_slice %arg5[%mul3A_3] : memref<1572864xf32, #tpu.memory_space<vmem_shared>> -> memref<32768xf32, #tpu.memory_space<vmem_shared>>
    %dma_start3A_412 = tpu.memref_slice %arg2[%add3A_410] : memref<33554432xf32, #tpu.memory_space<hbm>> -> memref<32768xf32, #tpu.memory_space<hbm>>
    tpu.enqueue_dma source(%dma_start3A_412 : memref<32768xf32, #tpu.memory_space<hbm>>) target(%dma_start3A_411 : memref<32768xf32, #tpu.memory_space<vmem_shared>>) target_semaphore(%arg7 : memref<!tpu.dma_semaphore, #tpu.memory_space<semaphore_mem>>)
    %dma_wait3A_413 = tpu.memref_slice %arg5[%mul3A_15] : memref<1572864xf32, #tpu.memory_space<vmem_shared>> -> memref<32768xf32, #tpu.memory_space<vmem_shared>>
    %dma_wait3A_414 = tpu.memref_slice %arg2[%add3A_398] : memref<33554432xf32, #tpu.memory_space<hbm>> -> memref<32768xf32, #tpu.memory_space<hbm>>
    tpu.wait_dma2 semaphore(%arg9 : memref<!tpu.dma_semaphore, #tpu.memory_space<semaphore_mem>>) src(%dma_wait3A_414 : memref<32768xf32, #tpu.memory_space<hbm>>) dst(%dma_wait3A_413 : memref<32768xf32, #tpu.memory_space<vmem_shared>>)
    %add3A_415 = arith.constant 851968 : i32
    %add3A_416 = arith.addi %mul3A_20, %add3A_415 : i32
    %dma_start3A_417 = tpu.memref_slice %arg4[%add3A_416] : memref<33554432xf32, #tpu.memory_space<hbm>> -> memref<32768xf32, #tpu.memory_space<hbm>>
    %dma_start3A_418 = tpu.memref_slice %arg5[%mul3A_15] : memref<1572864xf32, #tpu.memory_space<vmem_shared>> -> memref<32768xf32, #tpu.memory_space<vmem_shared>>
    tpu.enqueue_dma source(%dma_start3A_418 : memref<32768xf32, #tpu.memory_space<vmem_shared>>) target(%dma_start3A_417 : memref<32768xf32, #tpu.memory_space<hbm>>) target_semaphore(%arg12 : memref<!tpu.dma_semaphore, #tpu.memory_space<semaphore_mem>>)
    %dma_wait3A_419 = tpu.memref_slice %arg4[%add3A_404] : memref<33554432xf32, #tpu.memory_space<hbm>> -> memref<32768xf32, #tpu.memory_space<hbm>>
    %dma_wait3A_420 = tpu.memref_slice %arg5[%mul3A_9] : memref<1572864xf32, #tpu.memory_space<vmem_shared>> -> memref<32768xf32, #tpu.memory_space<vmem_shared>>
    tpu.wait_dma2 semaphore(%arg11 : memref<!tpu.dma_semaphore, #tpu.memory_space<semaphore_mem>>) src(%dma_wait3A_420 : memref<32768xf32, #tpu.memory_space<vmem_shared>>) dst(%dma_wait3A_419 : memref<32768xf32, #tpu.memory_space<hbm>>)
    %add3A_421 = arith.constant 917504 : i32
    %add3A_422 = arith.addi %mul3A_20, %add3A_421 : i32
    %dma_start3A_423 = tpu.memref_slice %arg5[%mul3A_9] : memref<1572864xf32, #tpu.memory_space<vmem_shared>> -> memref<32768xf32, #tpu.memory_space<vmem_shared>>
    %dma_start3A_424 = tpu.memref_slice %arg2[%add3A_422] : memref<33554432xf32, #tpu.memory_space<hbm>> -> memref<32768xf32, #tpu.memory_space<hbm>>
    tpu.enqueue_dma source(%dma_start3A_424 : memref<32768xf32, #tpu.memory_space<hbm>>) target(%dma_start3A_423 : memref<32768xf32, #tpu.memory_space<vmem_shared>>) target_semaphore(%arg8 : memref<!tpu.dma_semaphore, #tpu.memory_space<semaphore_mem>>)
    %dma_wait3A_425 = tpu.memref_slice %arg5[%mul3A_3] : memref<1572864xf32, #tpu.memory_space<vmem_shared>> -> memref<32768xf32, #tpu.memory_space<vmem_shared>>
    %dma_wait3A_426 = tpu.memref_slice %arg2[%add3A_410] : memref<33554432xf32, #tpu.memory_space<hbm>> -> memref<32768xf32, #tpu.memory_space<hbm>>
    tpu.wait_dma2 semaphore(%arg7 : memref<!tpu.dma_semaphore, #tpu.memory_space<semaphore_mem>>) src(%dma_wait3A_426 : memref<32768xf32, #tpu.memory_space<hbm>>) dst(%dma_wait3A_425 : memref<32768xf32, #tpu.memory_space<vmem_shared>>)
    %add3A_427 = arith.constant 884736 : i32
    %add3A_428 = arith.addi %mul3A_20, %add3A_427 : i32
    %dma_start3A_429 = tpu.memref_slice %arg4[%add3A_428] : memref<33554432xf32, #tpu.memory_space<hbm>> -> memref<32768xf32, #tpu.memory_space<hbm>>
    %dma_start3A_430 = tpu.memref_slice %arg5[%mul3A_3] : memref<1572864xf32, #tpu.memory_space<vmem_shared>> -> memref<32768xf32, #tpu.memory_space<vmem_shared>>
    tpu.enqueue_dma source(%dma_start3A_430 : memref<32768xf32, #tpu.memory_space<vmem_shared>>) target(%dma_start3A_429 : memref<32768xf32, #tpu.memory_space<hbm>>) target_semaphore(%arg10 : memref<!tpu.dma_semaphore, #tpu.memory_space<semaphore_mem>>)
    %dma_wait3A_431 = tpu.memref_slice %arg4[%add3A_416] : memref<33554432xf32, #tpu.memory_space<hbm>> -> memref<32768xf32, #tpu.memory_space<hbm>>
    %dma_wait3A_432 = tpu.memref_slice %arg5[%mul3A_15] : memref<1572864xf32, #tpu.memory_space<vmem_shared>> -> memref<32768xf32, #tpu.memory_space<vmem_shared>>
    tpu.wait_dma2 semaphore(%arg12 : memref<!tpu.dma_semaphore, #tpu.memory_space<semaphore_mem>>) src(%dma_wait3A_432 : memref<32768xf32, #tpu.memory_space<vmem_shared>>) dst(%dma_wait3A_431 : memref<32768xf32, #tpu.memory_space<hbm>>)
    %add3A_433 = arith.constant 950272 : i32
    %add3A_434 = arith.addi %mul3A_20, %add3A_433 : i32
    %dma_start3A_435 = tpu.memref_slice %arg5[%mul3A_15] : memref<1572864xf32, #tpu.memory_space<vmem_shared>> -> memref<32768xf32, #tpu.memory_space<vmem_shared>>
    %dma_start3A_436 = tpu.memref_slice %arg2[%add3A_434] : memref<33554432xf32, #tpu.memory_space<hbm>> -> memref<32768xf32, #tpu.memory_space<hbm>>
    tpu.enqueue_dma source(%dma_start3A_436 : memref<32768xf32, #tpu.memory_space<hbm>>) target(%dma_start3A_435 : memref<32768xf32, #tpu.memory_space<vmem_shared>>) target_semaphore(%arg9 : memref<!tpu.dma_semaphore, #tpu.memory_space<semaphore_mem>>)
    %dma_wait3A_437 = tpu.memref_slice %arg5[%mul3A_9] : memref<1572864xf32, #tpu.memory_space<vmem_shared>> -> memref<32768xf32, #tpu.memory_space<vmem_shared>>
    %dma_wait3A_438 = tpu.memref_slice %arg2[%add3A_422] : memref<33554432xf32, #tpu.memory_space<hbm>> -> memref<32768xf32, #tpu.memory_space<hbm>>
    tpu.wait_dma2 semaphore(%arg8 : memref<!tpu.dma_semaphore, #tpu.memory_space<semaphore_mem>>) src(%dma_wait3A_438 : memref<32768xf32, #tpu.memory_space<hbm>>) dst(%dma_wait3A_437 : memref<32768xf32, #tpu.memory_space<vmem_shared>>)
    %add3A_439 = arith.constant 917504 : i32
    %add3A_440 = arith.addi %mul3A_20, %add3A_439 : i32
    %dma_start3A_441 = tpu.memref_slice %arg4[%add3A_440] : memref<33554432xf32, #tpu.memory_space<hbm>> -> memref<32768xf32, #tpu.memory_space<hbm>>
    %dma_start3A_442 = tpu.memref_slice %arg5[%mul3A_9] : memref<1572864xf32, #tpu.memory_space<vmem_shared>> -> memref<32768xf32, #tpu.memory_space<vmem_shared>>
    tpu.enqueue_dma source(%dma_start3A_442 : memref<32768xf32, #tpu.memory_space<vmem_shared>>) target(%dma_start3A_441 : memref<32768xf32, #tpu.memory_space<hbm>>) target_semaphore(%arg11 : memref<!tpu.dma_semaphore, #tpu.memory_space<semaphore_mem>>)
    %dma_wait3A_443 = tpu.memref_slice %arg4[%add3A_428] : memref<33554432xf32, #tpu.memory_space<hbm>> -> memref<32768xf32, #tpu.memory_space<hbm>>
    %dma_wait3A_444 = tpu.memref_slice %arg5[%mul3A_3] : memref<1572864xf32, #tpu.memory_space<vmem_shared>> -> memref<32768xf32, #tpu.memory_space<vmem_shared>>
    tpu.wait_dma2 semaphore(%arg10 : memref<!tpu.dma_semaphore, #tpu.memory_space<semaphore_mem>>) src(%dma_wait3A_444 : memref<32768xf32, #tpu.memory_space<vmem_shared>>) dst(%dma_wait3A_443 : memref<32768xf32, #tpu.memory_space<hbm>>)
    %add3A_445 = arith.constant 983040 : i32
    %add3A_446 = arith.addi %mul3A_20, %add3A_445 : i32
    %dma_start3A_447 = tpu.memref_slice %arg5[%mul3A_3] : memref<1572864xf32, #tpu.memory_space<vmem_shared>> -> memref<32768xf32, #tpu.memory_space<vmem_shared>>
    %dma_start3A_448 = tpu.memref_slice %arg2[%add3A_446] : memref<33554432xf32, #tpu.memory_space<hbm>> -> memref<32768xf32, #tpu.memory_space<hbm>>
    tpu.enqueue_dma source(%dma_start3A_448 : memref<32768xf32, #tpu.memory_space<hbm>>) target(%dma_start3A_447 : memref<32768xf32, #tpu.memory_space<vmem_shared>>) target_semaphore(%arg7 : memref<!tpu.dma_semaphore, #tpu.memory_space<semaphore_mem>>)
    %dma_wait3A_449 = tpu.memref_slice %arg5[%mul3A_15] : memref<1572864xf32, #tpu.memory_space<vmem_shared>> -> memref<32768xf32, #tpu.memory_space<vmem_shared>>
    %dma_wait3A_450 = tpu.memref_slice %arg2[%add3A_434] : memref<33554432xf32, #tpu.memory_space<hbm>> -> memref<32768xf32, #tpu.memory_space<hbm>>
    tpu.wait_dma2 semaphore(%arg9 : memref<!tpu.dma_semaphore, #tpu.memory_space<semaphore_mem>>) src(%dma_wait3A_450 : memref<32768xf32, #tpu.memory_space<hbm>>) dst(%dma_wait3A_449 : memref<32768xf32, #tpu.memory_space<vmem_shared>>)
    %add3A_451 = arith.constant 950272 : i32
    %add3A_452 = arith.addi %mul3A_20, %add3A_451 : i32
    %dma_start3A_453 = tpu.memref_slice %arg4[%add3A_452] : memref<33554432xf32, #tpu.memory_space<hbm>> -> memref<32768xf32, #tpu.memory_space<hbm>>
    %dma_start3A_454 = tpu.memref_slice %arg5[%mul3A_15] : memref<1572864xf32, #tpu.memory_space<vmem_shared>> -> memref<32768xf32, #tpu.memory_space<vmem_shared>>
    tpu.enqueue_dma source(%dma_start3A_454 : memref<32768xf32, #tpu.memory_space<vmem_shared>>) target(%dma_start3A_453 : memref<32768xf32, #tpu.memory_space<hbm>>) target_semaphore(%arg12 : memref<!tpu.dma_semaphore, #tpu.memory_space<semaphore_mem>>)
    %dma_wait3A_455 = tpu.memref_slice %arg4[%add3A_440] : memref<33554432xf32, #tpu.memory_space<hbm>> -> memref<32768xf32, #tpu.memory_space<hbm>>
    %dma_wait3A_456 = tpu.memref_slice %arg5[%mul3A_9] : memref<1572864xf32, #tpu.memory_space<vmem_shared>> -> memref<32768xf32, #tpu.memory_space<vmem_shared>>
    tpu.wait_dma2 semaphore(%arg11 : memref<!tpu.dma_semaphore, #tpu.memory_space<semaphore_mem>>) src(%dma_wait3A_456 : memref<32768xf32, #tpu.memory_space<vmem_shared>>) dst(%dma_wait3A_455 : memref<32768xf32, #tpu.memory_space<hbm>>)
    %add3A_457 = arith.constant 1015808 : i32
    %add3A_458 = arith.addi %mul3A_20, %add3A_457 : i32
    %dma_start3A_459 = tpu.memref_slice %arg5[%mul3A_9] : memref<1572864xf32, #tpu.memory_space<vmem_shared>> -> memref<32768xf32, #tpu.memory_space<vmem_shared>>
    %dma_start3A_460 = tpu.memref_slice %arg2[%add3A_458] : memref<33554432xf32, #tpu.memory_space<hbm>> -> memref<32768xf32, #tpu.memory_space<hbm>>
    tpu.enqueue_dma source(%dma_start3A_460 : memref<32768xf32, #tpu.memory_space<hbm>>) target(%dma_start3A_459 : memref<32768xf32, #tpu.memory_space<vmem_shared>>) target_semaphore(%arg8 : memref<!tpu.dma_semaphore, #tpu.memory_space<semaphore_mem>>)
    %dma_wait3A_461 = tpu.memref_slice %arg5[%mul3A_3] : memref<1572864xf32, #tpu.memory_space<vmem_shared>> -> memref<32768xf32, #tpu.memory_space<vmem_shared>>
    %dma_wait3A_462 = tpu.memref_slice %arg2[%add3A_446] : memref<33554432xf32, #tpu.memory_space<hbm>> -> memref<32768xf32, #tpu.memory_space<hbm>>
    tpu.wait_dma2 semaphore(%arg7 : memref<!tpu.dma_semaphore, #tpu.memory_space<semaphore_mem>>) src(%dma_wait3A_462 : memref<32768xf32, #tpu.memory_space<hbm>>) dst(%dma_wait3A_461 : memref<32768xf32, #tpu.memory_space<vmem_shared>>)
    %add3A_463 = arith.constant 983040 : i32
    %add3A_464 = arith.addi %mul3A_20, %add3A_463 : i32
    %dma_start3A_465 = tpu.memref_slice %arg4[%add3A_464] : memref<33554432xf32, #tpu.memory_space<hbm>> -> memref<32768xf32, #tpu.memory_space<hbm>>
    %dma_start3A_466 = tpu.memref_slice %arg5[%mul3A_3] : memref<1572864xf32, #tpu.memory_space<vmem_shared>> -> memref<32768xf32, #tpu.memory_space<vmem_shared>>
    tpu.enqueue_dma source(%dma_start3A_466 : memref<32768xf32, #tpu.memory_space<vmem_shared>>) target(%dma_start3A_465 : memref<32768xf32, #tpu.memory_space<hbm>>) target_semaphore(%arg10 : memref<!tpu.dma_semaphore, #tpu.memory_space<semaphore_mem>>)
    %dma_wait3A_467 = tpu.memref_slice %arg5[%mul3A_9] : memref<1572864xf32, #tpu.memory_space<vmem_shared>> -> memref<32768xf32, #tpu.memory_space<vmem_shared>>
    %dma_wait3A_468 = tpu.memref_slice %arg2[%add3A_458] : memref<33554432xf32, #tpu.memory_space<hbm>> -> memref<32768xf32, #tpu.memory_space<hbm>>
    tpu.wait_dma2 semaphore(%arg8 : memref<!tpu.dma_semaphore, #tpu.memory_space<semaphore_mem>>) src(%dma_wait3A_468 : memref<32768xf32, #tpu.memory_space<hbm>>) dst(%dma_wait3A_467 : memref<32768xf32, #tpu.memory_space<vmem_shared>>)
    %add3A_469 = arith.constant 1015808 : i32
    %add3A_470 = arith.addi %mul3A_20, %add3A_469 : i32
    %dma_start3A_471 = tpu.memref_slice %arg4[%add3A_470] : memref<33554432xf32, #tpu.memory_space<hbm>> -> memref<32768xf32, #tpu.memory_space<hbm>>
    %dma_start3A_472 = tpu.memref_slice %arg5[%mul3A_9] : memref<1572864xf32, #tpu.memory_space<vmem_shared>> -> memref<32768xf32, #tpu.memory_space<vmem_shared>>
    tpu.enqueue_dma source(%dma_start3A_472 : memref<32768xf32, #tpu.memory_space<vmem_shared>>) target(%dma_start3A_471 : memref<32768xf32, #tpu.memory_space<hbm>>) target_semaphore(%arg11 : memref<!tpu.dma_semaphore, #tpu.memory_space<semaphore_mem>>)
    %dma_wait3A_473 = tpu.memref_slice %arg4[%add3A_464] : memref<33554432xf32, #tpu.memory_space<hbm>> -> memref<32768xf32, #tpu.memory_space<hbm>>
    %dma_wait3A_474 = tpu.memref_slice %arg5[%mul3A_3] : memref<1572864xf32, #tpu.memory_space<vmem_shared>> -> memref<32768xf32, #tpu.memory_space<vmem_shared>>
    tpu.wait_dma2 semaphore(%arg10 : memref<!tpu.dma_semaphore, #tpu.memory_space<semaphore_mem>>) src(%dma_wait3A_474 : memref<32768xf32, #tpu.memory_space<vmem_shared>>) dst(%dma_wait3A_473 : memref<32768xf32, #tpu.memory_space<hbm>>)
    %dma_wait3A_475 = tpu.memref_slice %arg4[%add3A_470] : memref<33554432xf32, #tpu.memory_space<hbm>> -> memref<32768xf32, #tpu.memory_space<hbm>>
    %dma_wait3A_476 = tpu.memref_slice %arg5[%mul3A_9] : memref<1572864xf32, #tpu.memory_space<vmem_shared>> -> memref<32768xf32, #tpu.memory_space<vmem_shared>>
    tpu.wait_dma2 semaphore(%arg11 : memref<!tpu.dma_semaphore, #tpu.memory_space<semaphore_mem>>) src(%dma_wait3A_476 : memref<32768xf32, #tpu.memory_space<vmem_shared>>) dst(%dma_wait3A_475 : memref<32768xf32, #tpu.memory_space<hbm>>)
    %dma_wait3A_477 = tpu.memref_slice %arg4[%add3A_452] : memref<33554432xf32, #tpu.memory_space<hbm>> -> memref<32768xf32, #tpu.memory_space<hbm>>
    %dma_wait3A_478 = tpu.memref_slice %arg5[%mul3A_15] : memref<1572864xf32, #tpu.memory_space<vmem_shared>> -> memref<32768xf32, #tpu.memory_space<vmem_shared>>
    tpu.wait_dma2 semaphore(%arg12 : memref<!tpu.dma_semaphore, #tpu.memory_space<semaphore_mem>>) src(%dma_wait3A_478 : memref<32768xf32, #tpu.memory_space<vmem_shared>>) dst(%dma_wait3A_477 : memref<32768xf32, #tpu.memory_space<hbm>>)
    tpu.wait_dma2 semaphore(%arg13 : memref<!tpu.dma_semaphore, #tpu.memory_space<semaphore_mem>>) src(%arg3 : memref<26240xf32, #tpu.memory_space<hbm>>) dst(%arg6 : memref<26240xf32, #tpu.memory_space<vmem>>)
    %add3A_479 = arith.constant 0 : i32
    %add3A_480 = arith.addi %mul3A_20, %add3A_479 : i32
    %mul3A_481 = arith.constant 128 : i32
    %mul3A_482 = arith.muli %select_n3A_96, %mul3A_481 : i32
    %add3A_483 = arith.addi %add3A_480, %mul3A_482 : i32
    %dma_start3A_484 = tpu.memref_slice %arg4[%add3A_483] : memref<33554432xf32, #tpu.memory_space<hbm>> -> memref<26240xf32, #tpu.memory_space<hbm>>
    %dma_start3A_485 = tpu.memref_slice %arg4[%add3A_483] : memref<33554432xf32, #tpu.memory_space<hbm>> -> memref<26240xf32, #tpu.memory_space<hbm>>
    tpu.enqueue_dma source(%arg6 : memref<26240xf32, #tpu.memory_space<vmem>>) target(%dma_start3A_485 : memref<26240xf32, #tpu.memory_space<hbm>>) target_semaphore(%arg14 : memref<!tpu.dma_semaphore, #tpu.memory_space<semaphore_mem>>)
    %add3A_486 = arith.constant 262144 : i32
    %add3A_487 = arith.addi %mul3A_20, %add3A_486 : i32
    %mul3A_488 = arith.constant 128 : i32
    %mul3A_489 = arith.muli %select_n3A_96, %mul3A_488 : i32
    %add3A_490 = arith.addi %add3A_487, %mul3A_489 : i32
    %dma_start3A_491 = tpu.memref_slice %arg4[%add3A_490] : memref<33554432xf32, #tpu.memory_space<hbm>> -> memref<26240xf32, #tpu.memory_space<hbm>>
    %dma_start3A_492 = tpu.memref_slice %arg4[%add3A_490] : memref<33554432xf32, #tpu.memory_space<hbm>> -> memref<26240xf32, #tpu.memory_space<hbm>>
    tpu.enqueue_dma source(%arg6 : memref<26240xf32, #tpu.memory_space<vmem>>) target(%dma_start3A_492 : memref<26240xf32, #tpu.memory_space<hbm>>) target_semaphore(%arg14 : memref<!tpu.dma_semaphore, #tpu.memory_space<semaphore_mem>>)
    %add3A_493 = arith.constant 524288 : i32
    %add3A_494 = arith.addi %mul3A_20, %add3A_493 : i32
    %mul3A_495 = arith.constant 128 : i32
    %mul3A_496 = arith.muli %select_n3A_96, %mul3A_495 : i32
    %add3A_497 = arith.addi %add3A_494, %mul3A_496 : i32
    %dma_start3A_498 = tpu.memref_slice %arg4[%add3A_497] : memref<33554432xf32, #tpu.memory_space<hbm>> -> memref<26240xf32, #tpu.memory_space<hbm>>
    %dma_start3A_499 = tpu.memref_slice %arg4[%add3A_497] : memref<33554432xf32, #tpu.memory_space<hbm>> -> memref<26240xf32, #tpu.memory_space<hbm>>
    tpu.enqueue_dma source(%arg6 : memref<26240xf32, #tpu.memory_space<vmem>>) target(%dma_start3A_499 : memref<26240xf32, #tpu.memory_space<hbm>>) target_semaphore(%arg14 : memref<!tpu.dma_semaphore, #tpu.memory_space<semaphore_mem>>)
    %add3A_500 = arith.constant 786432 : i32
    %add3A_501 = arith.addi %mul3A_20, %add3A_500 : i32
    %mul3A_502 = arith.constant 128 : i32
    %mul3A_503 = arith.muli %select_n3A_96, %mul3A_502 : i32
    %add3A_504 = arith.addi %add3A_501, %mul3A_503 : i32
    %dma_start3A_505 = tpu.memref_slice %arg4[%add3A_504] : memref<33554432xf32, #tpu.memory_space<hbm>> -> memref<26240xf32, #tpu.memory_space<hbm>>
    %dma_start3A_506 = tpu.memref_slice %arg4[%add3A_504] : memref<33554432xf32, #tpu.memory_space<hbm>> -> memref<26240xf32, #tpu.memory_space<hbm>>
    tpu.enqueue_dma source(%arg6 : memref<26240xf32, #tpu.memory_space<vmem>>) target(%dma_start3A_506 : memref<26240xf32, #tpu.memory_space<hbm>>) target_semaphore(%arg14 : memref<!tpu.dma_semaphore, #tpu.memory_space<semaphore_mem>>)
    %dma_wait3A_507 = tpu.memref_slice %arg4[%add3A_483] : memref<33554432xf32, #tpu.memory_space<hbm>> -> memref<26240xf32, #tpu.memory_space<hbm>>
    %dma_wait3A_508 = tpu.memref_slice %arg4[%add3A_483] : memref<33554432xf32, #tpu.memory_space<hbm>> -> memref<26240xf32, #tpu.memory_space<hbm>>
    tpu.wait_dma2 semaphore(%arg14 : memref<!tpu.dma_semaphore, #tpu.memory_space<semaphore_mem>>) src(%arg6 : memref<26240xf32, #tpu.memory_space<vmem>>) dst(%dma_wait3A_508 : memref<26240xf32, #tpu.memory_space<hbm>>)
    %dma_wait3A_509 = tpu.memref_slice %arg4[%add3A_490] : memref<33554432xf32, #tpu.memory_space<hbm>> -> memref<26240xf32, #tpu.memory_space<hbm>>
    %dma_wait3A_510 = tpu.memref_slice %arg4[%add3A_490] : memref<33554432xf32, #tpu.memory_space<hbm>> -> memref<26240xf32, #tpu.memory_space<hbm>>
    tpu.wait_dma2 semaphore(%arg14 : memref<!tpu.dma_semaphore, #tpu.memory_space<semaphore_mem>>) src(%arg6 : memref<26240xf32, #tpu.memory_space<vmem>>) dst(%dma_wait3A_510 : memref<26240xf32, #tpu.memory_space<hbm>>)
    %dma_wait3A_511 = tpu.memref_slice %arg4[%add3A_497] : memref<33554432xf32, #tpu.memory_space<hbm>> -> memref<26240xf32, #tpu.memory_space<hbm>>
    %dma_wait3A_512 = tpu.memref_slice %arg4[%add3A_497] : memref<33554432xf32, #tpu.memory_space<hbm>> -> memref<26240xf32, #tpu.memory_space<hbm>>
    tpu.wait_dma2 semaphore(%arg14 : memref<!tpu.dma_semaphore, #tpu.memory_space<semaphore_mem>>) src(%arg6 : memref<26240xf32, #tpu.memory_space<vmem>>) dst(%dma_wait3A_512 : memref<26240xf32, #tpu.memory_space<hbm>>)
    %dma_wait3A_513 = tpu.memref_slice %arg4[%add3A_504] : memref<33554432xf32, #tpu.memory_space<hbm>> -> memref<26240xf32, #tpu.memory_space<hbm>>
    %dma_wait3A_514 = tpu.memref_slice %arg4[%add3A_504] : memref<33554432xf32, #tpu.memory_space<hbm>> -> memref<26240xf32, #tpu.memory_space<hbm>>
    tpu.wait_dma2 semaphore(%arg14 : memref<!tpu.dma_semaphore, #tpu.memory_space<semaphore_mem>>) src(%arg6 : memref<26240xf32, #tpu.memory_space<vmem>>) dst(%dma_wait3A_514 : memref<26240xf32, #tpu.memory_space<hbm>>)
    return
  }
}

</mosaic_0001>

<sc_bundles>
// kernel: kernel.3.cloned.1.call-start
scs
__scs_entry_jumppad:
0x0: {  	(pc) =	sbr.rel $0x88, $3  }
0x1: {  	(tag) =	ssettag $0x0;
	lr =	simm.s32 $0x1  }
0x2: {  	[smem:$0x3FA0] =	sst lr;
	_ =	strace $0xD0000000  }
0x3: {  	_ = 	snop  }
0x4: {  	_ = 	snop  }
0x5: {  	_ = 	snop  }
0x6: {  	_ = 	snop  }
0x7: {  	_ = 	snop  }
__scs_overlays_trampoline_lowered:
0x8: {  	[smem:$0x3FAF] =	sst s0  }
0x9: {  	[smem:$0x3FB0] =	sst s1  }
0xa: {  	[smem:$0x3FB1] =	sst s2  }
0xb: {  	[smem:$0x3FB2] =	sst s3  }
0xc: {  	[smem:$0x3FB3] =	sst s4  }
0xd: {  	[smem:$0x3FB4] =	sst s5  }
0xe: {  	[smem:$0x3FB5] =	sst s6  }
0xf: {  	[smem:$0x3FB6] =	sst s7  }
0x10: {  	[smem:$0x3FB7] =	sst s8  }
0x11: {  	[smem:$0x3FB8] =	sst s9;
	s0 =	simm.s32 @!p0 $0x0  }
0x12: {  	s1 =	sld [smem:$0x3F9E];
	s0 =	simm.s32 @p0 $0x1  }
0x13: {  	[smem:$0x3FB9] =	sst s0;
	s0 =	simm.s32 @!p1 $0x0  }
0x14: {  	s2 =	sld [smem:$0x3F9D];
	s0 =	simm.s32 @p1 $0x1  }
0x15: {  	[smem:$0x3FBA] =	sst s0;
	s0 =	simm.s32 @!p2 $0x0  }
0x16: {  	s3 =	sld [smem:$0x3FDB];
	s0 =	simm.s32 @p2 $0x1  }
0x17: {  	s4 =	simm.s32 $0x1BF5;
	[smem:$0x3FBC] =	sst s0  }
0x18: {  	s0 =	sld [smem:$0x3F9F];
	_ =	swait.ge [sflag:s4], $0x0  }
0x19: {  	s7 =	sld [smem:$0x3FA0]  }
0x1a: {  	s8 =	sadd.s32 $0xFFFFE003, lr  }
0x1b: {  	s9 =	sadd.s32 $0xFFFFFEF7, lr;
	s5 =	simm.s32 $0xFFFFFFFF;
	p2 =	slt.u32 s8, $0xFFFFF086  }
0x1c: {  	p1 =	slt.u32 s9, $0xF7A;
	s5 =	simm.s32 @!p2 $0x0  }
0x1d: {  	s5 =	simm.s32 @p1 $0x1;
	p0 =	seq.s32 s7, s2  }
0x1e: {  	s7 =	smul.u32 @!p0 $0xF7A, s2;
	p2 =	seq.s32 @!p0 s5, $0x0  }
0x1f: {  	s9 =	smul.u32 $0xF7A, s1;
	s8 =	simm.s32 @!p0 $0x1BF5;
	p2 =	por !p2, p0  }
0x20: {  	[sflag:s8] =	ssyncset.s32 @!p0 $0xFFFFF086;
	s6 =	sadd.s32 @!p0 s3, s7;
	s7 =	simm.s32 @!p0 $0x108  }
0x21: {  	s3 =	sadd.s32 s3, s9;
	s6 =	sadd.s32 @!p0 $0x88, s6;
	s7 =	simm.s32 @p2 $0x1082  }
0x22: {  	[simem:s7], [sflag:s8] =	dma.local @!p0 [hbm:s6], $0xF7A  }
0x23: {  	s9 =	sor.u32 $0xD0000000, s2;
	s6 =	simm.s32 $0x108;
	_ =	swait.ge @!p0 [sflag:s8], $0x0  }
0x24: {  	s3 =	sadd.s32 $0x88, s3;
	s6 =	simm.s32 @!p1 $0x1082;
	[sflag:s4] =	ssyncset.s32 $0xFFFFF086  }
0x25: {  	[simem:s6], [sflag:s4] =	dma.local [hbm:s3], $0xF7A  }
0x26: {  	[smem:$0x3FA0] =	sst s1;
	(tag) =	ssettag s2;
	_ =	strace s9  }
0x27: {  	s1 =	sld [smem:$0x3FB0]  }
0x28: {  	s2 =	sld [smem:$0x3FB1]  }
0x29: {  	s4 =	sld [smem:$0x3FB3]  }
0x2a: {  	p0 =	seq.s32 s5, $0x0;
	s5 =	sld [smem:$0x3FB4]  }
0x2b: {  	s6 =	sld [smem:$0x3FB5]  }
0x2c: {  	s7 =	sld [smem:$0x3FB6]  }
0x2d: {  	s3 =	simm.s32 $0x108;
	s8 =	sld [smem:$0x3FB7]  }
0x2e: {  	s3 =	simm.s32 @!p0 $0x1082;
	s9 =	sld [smem:$0x3FB8]  }
0x2f: {  	lr =	sadd.s32 s0, s3;
	s0 =	sld [smem:$0x3FAF]  }
0x30: {  	s3 =	sld [smem:$0x3FB2]  }
0x31: {  	[smem:$0x3FBB] =	sst s10  }
0x32: {  	s10 =	sld [smem:$0x3FB9];
	_ =	sdelay $0x3  }
0x33: {  	p0 =	seq.s32 s10, $0x1;
	s10 =	sld [smem:$0x3FBB];
	_ =	sdelay $0x3  }
0x34: {  	[smem:$0x3FBB] =	sst s10  }
0x35: {  	s10 =	sld [smem:$0x3FBA];
	_ =	sdelay $0x3  }
0x36: {  	p1 =	seq.s32 s10, $0x1;
	s10 =	sld [smem:$0x3FBB];
	_ =	sdelay $0x3  }
0x37: {  	[smem:$0x3FBB] =	sst s10  }
0x38: {  	s10 =	sld [smem:$0x3FBC]  }
0x39: {  	_ = 	snop;
	(pc) =	sbr.ind lr, $3  }
0x3a: {  	_ = 	snop  }
0x3b: {  	_ = 	snop  }
0x3c: {  	p2 =	seq.s32 s10, $0x1;
	s10 =	sld [smem:$0x3FBB]  }
0x3d: {  	_ =	shalt  }
0x3e: {  	_ =	shalt  }
0x3f: {  	_ =	shalt  }
0x40: {  	_ =	shalt  }
0x41: {  	_ =	shalt  }
0x42: {  	_ =	shalt  }
0x43: {  	_ =	shalt  }
0x44: {  	_ =	shalt  }
0x45: {  	_ =	shalt  }
0x46: {  	_ =	shalt  }
0x47: {  	_ =	shalt  }
0x48: {  	_ =	shalt  }
0x49: {  	_ =	shalt  }
0x4a: {  	_ =	shalt  }
0x4b: {  	_ =	shalt  }
0x4c: {  	_ =	shalt  }
0x4d: {  	_ =	shalt  }
0x4e: {  	_ =	shalt  }
0x4f: {  	_ =	shalt  }
0x50: {  	_ =	shalt  }
0x51: {  	_ =	shalt  }
0x52: {  	_ =	shalt  }
0x53: {  	_ =	shalt  }
0x54: {  	_ =	shalt  }
0x55: {  	_ =	shalt  }
0x56: {  	_ =	shalt  }
0x57: {  	_ =	shalt  }
0x58: {  	_ =	shalt  }
0x59: {  	_ =	shalt  }
0x5a: {  	_ =	shalt  }
0x5b: {  	_ =	shalt  }
0x5c: {  	_ =	shalt  }
0x5d: {  	_ =	shalt  }
0x5e: {  	_ =	shalt  }
0x5f: {  	_ =	shalt  }
0x60: {  	_ =	shalt  }
0x61: {  	_ =	shalt  }
0x62: {  	_ =	shalt  }
0x63: {  	_ =	shalt  }
0x64: {  	_ =	shalt  }
0x65: {  	_ =	shalt  }
0x66: {  	_ =	shalt  }
0x67: {  	_ =	shalt  }
0x68: {  	_ =	shalt  }
0x69: {  	_ =	shalt  }
0x6a: {  	_ =	shalt  }
0x6b: {  	_ =	shalt  }
0x6c: {  	_ =	shalt  }
0x6d: {  	_ =	shalt  }
0x6e: {  	_ =	shalt  }
0x6f: {  	_ =	shalt  }
0x70: {  	_ =	shalt  }
0x71: {  	_ =	shalt  }
0x72: {  	_ =	shalt  }
0x73: {  	_ =	shalt  }
0x74: {  	_ =	shalt  }
0x75: {  	_ =	shalt  }
0x76: {  	_ =	shalt  }
0x77: {  	_ =	shalt  }
0x78: {  	_ =	shalt  }
0x79: {  	_ =	shalt  }
0x7a: {  	_ =	shalt  }
0x7b: {  	_ =	shalt  }
0x7c: {  	_ =	shalt  }
0x7d: {  	_ =	shalt  }
0x7e: {  	_ =	shalt  }
0x7f: {  	_ =	shalt  }
0x80: {  	_ =	shalt  }
0x81: {  	_ =	shalt  }
0x82: {  	_ =	shalt  }
0x83: {  	_ =	shalt  }
0x84: {  	_ =	shalt  }
0x85: {  	_ =	shalt  }
0x86: {  	_ =	shalt  }
0x87: {  	_ =	shalt  }
.Lfunc_end0:
.L_simem_size_0:
called_computation_lowered:
.L_overlay_start_0:
0x88: {  	s2 =	sld [smem:$0x3FD9]  }
0x89: {  	s3 =	sld [smem:$0x3FFE];
	_ =	sdelay $0x1  }
0x8a: {  	s1 =	srdreg.scid  }
0x8b: {  	s0 =	sand.u32 $0x1, s1  }
0x8c: {  	s17 =	sshll.u32 s0, $0xA;
	s2 =	sadd.s32 s3, s2  }
0x8d: {  	s2 =	sadd.s32 s2, s17  }
0x8e: {  	[smem:$0x3FC7] =	sst s2  }
0x8f: {  	_ = 	snop  }
0x90: {  	s2 =	sld [smem:$0x3FC9]  }
0x91: {  	s18 =	sld [smem:$0x3FD0];
	(tm) =	ssettm $0x1  }
0x92: {  	s4 =	sld [smem:$0x3FFB];
	_ =	sdelay $0x3  }
0x93: {  	_ =	strace s4  }
0x94: {  	s4 =	sld [smem:$0x3FFC];
	_ =	sdelay $0x3  }
0x95: {  	_ =	strace s4  }
0x96: {  	s4 =	sld [smem:$0x3FFD];
	_ =	sdelay $0x3  }
0x97: {  	_ =	strace s4  }
0x98: {  	_ =	strace $0x8FFFFFFF  }
0x99: {  	s19 =	sld [smem:$0x3FDB];
	_ =	sdelay $0x1  }
0x9a: {  	s5 =	simm.s32 $_scs_section_size  }
0x9b: {  	s6 =	simm.s32 $_size__tile_overlayer_lowered;
	s7 =	simm.s32 $_tile_overlayer_lowered  }
0x9c: {  	s22 =	simm.s32 $0x1BFF;
	s21 =	sshll.u32 s7, $0x1;
	s4 =	sadd.s32 s5, s19  }
0x9d: {  	s8 =	simm.s32 $0x0;
	s20 =	sshll.u32 s6, $0x1;
	s6 =	sadd.s32 s21, s4  }
0x9e: {  	[timem:s8], [sflag:s22] =	dma.local [hbm:s6], s20  }
0x9f: {  	_ =	swait.ge [sflag:s22], s20  }
0xa0: {  	s5 =	ssub.s32 $0x0, s20;
	[sflag:s22] =	ssyncset.done $0x0  }
0xa1: {  	[sflag:s22] =	ssyncadd.s32 s5;
	_ =	sdelay $0x1  }
0xa2: {  	s23 =	simm.s32 $0x1B8B  }
0xa3: {  	_ =	swait.ge [sflag:s23], $0x1  }
0xa4: {  	[sflag:s23] =	ssyncset.done $0x0  }
0xa5: {  	s25 =	simm.s32 $0x1B8E;
	s24 =	sld [smem:$0x3FFE];
	[sflag:s23] =	ssyncadd.s32 $0xFFFFFFFF  }
0xa6: {  	s26 =	simm.s32 $execute0_lowered;
	[smem:$0x3FD2] =	sst s25  }
0xa7: {  	s6 =	sshll.u32 s26, $0x1;
	_ =	strace $0x80000046;
	[dreg:$0x1] =	wrdreg $0xFFFFFFFF  }
0xa8: {  	s28 =	simm.s32 $_size_execute0_lowered;
	s4 =	sadd.s32 s4, s6;
	[dreg:$0x0] =	wrdreg $0x0  }
0xa9: {  	s6 =	sshll.u32 s28, $0x1;
	[dreg:$0x2] =	wrdreg s4  }
0xaa: {  	[dreg:$0x3] =	wrdreg s6  }
0xab: {  	[dreg:$0x4] =	wrdreg $0xC0  }
0xac: {  	_ =	task [dreg:s8], $0x5FFFF  }
0xad: {  	[dreg:$0x1] =	wrdreg $0xFFFFFFFF  }
0xae: {  	[dreg:$0x0] =	wrdreg $0x60  }
0xaf: {  	[dreg:$0x2] =	wrdreg s2  }
0xb0: {  	[dreg:$0x3] =	wrdreg s24  }
0xb1: {  	[dreg:$0x4] =	wrdreg s18  }
0xb2: {  	[dreg:$0x5] =	wrdreg $0x0  }
0xb3: {  	[dreg:$0x6] =	wrdreg $0x9  }
0xb4: {  	_ =	task.clear_ibuf [dreg:s8], $0x7FFFF;
	_ =	strace $0x90000046  }
0xb5: {  	s29 =	simm.s32 $0x9;
	_ =	strace $0x80000048  }
0xb6: {  	_ =	swait.ge [sflag:s29], $0x1  }
0xb7: {  	[sflag:s29] =	ssyncadd.s32 $0xFFFFFFFF  }
0xb8: {  	_ =	strace $0x90000048  }
0xb9: {  	_ =	sfence  }
0xba: {  	s30 =	sld [smem:$0x0];
	_ =	sdelay $0x2  }
0xbb: {  	s31 =	sshll.u32 s1, $0xD;
	s1 =	sshrl.u32 s1, $0x2  }
0xbc: {  	s3 =	sand.u32 $0x4000, s31;
	s1 =	sadd.s32 s1, s30  }
0xbd: {  	s0 =	sor.u32 s3, s0;
	s1 =	sshll.u32 s1, $0x11  }
0xbe: {  	s0 =	sor.u32 s1, s0  }
0xbf: {  	s0 =	sadd.s32 $0x8F2B, s0  }
0xc0: {  	[sflag:s0] =	ssyncadd.remote.s32 $0x1  }
0xc1: {  	_ =	sfence.sel $0xFFFF  }
0xc2: {  	[dreg:$0x0] =	wrdreg $0xFFFFFFFF;
	(pc) =	sbr.abs _section_cstart, $3  }
0xc3: {  	[dreg:$0x1] =	wrdreg $0xFFFFFFFF  }
0xc4: {  	_ =	task.clear_ibuf [dreg:s8], $0x2FFFF;
	_ =	strace $0x9FFFFFFF  }
0xc5: {  	(tm) =	ssettm $0x7FFFFFFF  }
tec
execute0_lowered:
.L_overlay_start_1:
0x0: {  	(tag) =	ssettag $0x1  }
0x1: {  	s5 =	rddreg [dreg:$0x0]  }
0x2: {  	s6 =	rddreg [dreg:$0x1]  }
0x3: {  	s1 =	srdreg.scid;
	s4 =	rddreg [dreg:$0x2]  }
0x4: {  	s0 =	stileid.u32;
	s3 =	rddreg [dreg:$0x3]  }
0x5: {  	s2 =	simm.s32 $0x0;
	s22 =	sand.u32 $0x1, s1;
	s1 =	rddreg [dreg:$0x4]  }
0x6: {  	s24 =	sshll.u32 s0, $0x1;
	[smem:$0x7FF] =	sst s2;
	s6 =	sadd.s32 $0x400, s6  }
0x7: {  	s7 =	sor.u32 s22, s24;
	_ =	strace $0x80000047;
	[dreg:$0x5] =	wrdreg s6  }
0x8: {  	p0 =	seq.s32 s7, $0x0;
	s6 =	sshll.u32 s7, $0x14;
	s7 =	sshll.u32 s7, $0x11  }
0x9: {  	s9 =	sadd.s32 s5, s7  }
0xa: {  	s10 =	sor.u32 $0x1000, s7;
	s26 =	sadd.s32 s4, s7;
	[dreg:$0x6] =	wrdreg s9  }
0xb: {  	s11 =	sor.u32 $0x2000, s7;
	s25 =	sadd.s32 s5, s10;
	[dreg:$0x8] =	wrdreg s26  }
0xc: {  	s28 =	sadd.s32 s5, s11;
	[dreg:$0x7] =	wrdreg s25  }
0xd: {  	s30 =	sor.u32 $0x3000, s7;
	s29 =	sadd.s32 s4, s10;
	[dreg:$0x9] =	wrdreg s28  }
0xe: {  	s31 =	sadd.s32 s5, s30;
	[dreg:$0xa] =	wrdreg s29  }
0xf: {  	s12 =	sor.u32 $0x4000, s7;
	s11 =	sadd.s32 s4, s11;
	[dreg:$0xb] =	wrdreg s31  }
0x10: {  	s13 =	sadd.s32 s5, s12;
	[dreg:$0xc] =	wrdreg s11  }
0x11: {  	s15 =	sor.u32 $0x5000, s7;
	s14 =	sadd.s32 s4, s30;
	[dreg:$0xd] =	wrdreg s13  }
0x12: {  	s16 =	sadd.s32 s5, s15;
	[dreg:$0xe] =	wrdreg s14  }
0x13: {  	s18 =	sor.u32 $0x6000, s7;
	s17 =	sadd.s32 s4, s12;
	[dreg:$0xf] =	wrdreg s16  }
0x14: {  	s19 =	sadd.s32 s5, s18;
	[dreg:$0x10] =	wrdreg s17  }
0x15: {  	s23 =	sor.u32 $0x7000, s7;
	s21 =	sadd.s32 s4, s15;
	[dreg:$0x11] =	wrdreg s19  }
0x16: {  	s12 =	sadd.s32 s5, s23;
	[dreg:$0x12] =	wrdreg s21  }
0x17: {  	s8 =	simm.s32 $0x1;
	s10 =	sadd.s32 s4, s23;
	[dreg:$0x13] =	wrdreg s12  }
0x18: {  	s26 =	sor.u32 $0x9000, s7;
	s11 =	sadd.s32 s4, s18;
	[dreg:$0x16] =	wrdreg s10  }
0x19: {  	s30 =	sor.u32 $0xA000, s7;
	s28 =	sadd.s32 s5, s26;
	[dreg:$0x14] =	wrdreg s11  }
0x1a: {  	s9 =	sor.u32 $0x40000, s6;
	s31 =	sadd.s32 s5, s30;
	[dreg:$0x17] =	wrdreg s28  }
0x1b: {  	s24 =	sshrl.u32 s9, $0x3;
	s15 =	sadd.s32 s4, s30;
	[dreg:$0x19] =	wrdreg s31  }
0x1c: {  	s20 =	simm.s32 $0x2CD00;
	s25 =	sadd.s32 s5, s24;
	[dreg:$0x1c] =	wrdreg s15  }
0x1d: {  	p1 =	seq.s32 s22, $0x1;
	s29 =	sadd.s32 s4, s24;
	[dreg:$0x15] =	wrdreg s25  }
0x1e: {  	s13 =	sor.u32 $0xB000, s7;
	s11 =	sadd.s32 s4, s26;
	[dreg:$0x18] =	wrdreg s29  }
0x1f: {  	s16 =	sor.u32 $0xC000, s7;
	s14 =	sadd.s32 s5, s13;
	[dreg:$0x1a] =	wrdreg s11  }
0x20: {  	p0 =	por !p0, !p1;
	s17 =	sadd.s32 s5, s16;
	[dreg:$0x1b] =	wrdreg s14  }
0x21: {  	s19 =	sor.u32 $0xD000, s7;
	s18 =	sadd.s32 s4, s13;
	[dreg:$0x1d] =	wrdreg s17  }
0x22: {  	p0 =	por !p0, !p0;
	s21 =	sadd.s32 s5, s19;
	[dreg:$0x1e] =	wrdreg s18  }
0x23: {  	s8 =	simm.s32 @!p0 $0x0;
	s23 =	sadd.s32 s4, s16;
	[dreg:$0x1f] =	wrdreg s21  }
0x24: {  	s24 =	sor.u32 $0xE000, s7;
	s26 =	sadd.s32 s4, s19;
	[smem:$0x7D4] =	sst s23  }
0x25: {  	s28 =	sor.u32 $0xF000, s7;
	s25 =	sadd.s32 s5, s24;
	[smem:$0x7D6] =	sst s26  }
0x26: {  	s10 =	sor.u32 $0x80000, s6;
	s13 =	sadd.s32 s5, s28;
	[smem:$0x7D5] =	sst s25  }
0x27: {  	s8 =	ssub.s32 s0, s8;
	s12 =	sadd.s32 s4, s24;
	[smem:$0x7D7] =	sst s13  }
0x28: {  	s31 =	sor.u32 $0x11000, s7;
	s11 =	sadd.s32 s4, s28;
	[smem:$0x7D8] =	sst s12  }
0x29: {  	s16 =	sor.u32 $0x12000, s7;
	s14 =	sadd.s32 s5, s31;
	[smem:$0x7DA] =	sst s11  }
0x2a: {  	s19 =	sor.u32 $0x13000, s7;
	s17 =	sadd.s32 s5, s16;
	[smem:$0x7DB] =	sst s14  }
0x2b: {  	p0 =	seq.s32 s8, $0x1;
	s18 =	sadd.s32 s4, s31;
	[smem:$0x7DD] =	sst s17  }
0x2c: {  	s29 =	sshrl.u32 s10, $0x3;
	s21 =	sadd.s32 s5, s19;
	[smem:$0x7DE] =	sst s18  }
0x2d: {  	s23 =	sadd.s32 s4, s16;
	s24 =	sor.u32 $0x14000, s7;
	[smem:$0x7DF] =	sst s21  }
0x2e: {  	s26 =	sadd.s32 s4, s19;
	s28 =	sor.u32 $0x15000, s7;
	[smem:$0x7E0] =	sst s23  }
0x2f: {  	s31 =	sor.u32 $0x16000, s7;
	s30 =	sadd.s32 s5, s29;
	[smem:$0x7E2] =	sst s26  }
0x30: {  	s16 =	sor.u32 $0x17000, s7;
	s15 =	sadd.s32 s4, s29;
	[smem:$0x7D9] =	sst s30  }
0x31: {  	s19 =	sor.u32 $0x19000, s7;
	s25 =	sadd.s32 s5, s24;
	[smem:$0x7DC] =	sst s15  }
0x32: {  	s20 =	simm.s32 @!p0 $0x34A00;
	s29 =	sadd.s32 s5, s28;
	[smem:$0x7E1] =	sst s25  }
0x33: {  	p0 =	seq.s32 s8, $0x2;
	s14 =	sadd.s32 s5, s31;
	[smem:$0x7E3] =	sst s29  }
0x34: {  	s11 =	sor.u32 $0xC0000, s6;
	s13 =	sadd.s32 s4, s31;
	[smem:$0x7E5] =	sst s14  }
0x35: {  	s12 =	sadd.s32 s4, s16;
	s21 =	sadd.s32 s5, s19;
	[smem:$0x7E8] =	sst s13  }
0x36: {  	s26 =	sadd.s32 s4, s19;
	s31 =	sor.u32 $0x1C000, s7;
	[smem:$0x7EA] =	sst s12  }
0x37: {  	s20 =	simm.s32 @p0 $0x36380;
	p0 =	seq.s32 s8, $0x3;
	[smem:$0x7EB] =	sst s21  }
0x38: {  	s30 =	sadd.s32 s4, s24;
	s15 =	sadd.s32 s4, s28;
	[smem:$0x7EE] =	sst s26  }
0x39: {  	s14 =	sadd.s32 s5, s16;
	s17 =	sshrl.u32 s11, $0x3;
	[smem:$0x7E4] =	sst s30  }
0x3a: {  	s24 =	sor.u32 $0x1A000, s7;
	s28 =	sor.u32 $0x1B000, s7;
	[smem:$0x7E6] =	sst s15  }
0x3b: {  	s19 =	sadd.s32 s4, s31;
	s21 =	sor.u32 $0x1E000, s7;
	[smem:$0x7E7] =	sst s14  }
0x3c: {  	s20 =	simm.s32 @p0 $0x16D00;
	s18 =	sadd.s32 s5, s17;
	[smem:$0x7F4] =	sst s19  }
0x3d: {  	p0 =	seq.s32 s8, $0x4;
	s23 =	sadd.s32 s4, s17;
	[smem:$0x7E9] =	sst s18  }
0x3e: {  	s25 =	sadd.s32 s5, s24;
	s29 =	sadd.s32 s5, s28;
	[smem:$0x7EC] =	sst s23  }
0x3f: {  	s30 =	sadd.s32 s4, s24;
	s15 =	sadd.s32 s5, s31;
	[smem:$0x7ED] =	sst s25  }
0x40: {  	s16 =	sadd.s32 s4, s28;
	s17 =	sor.u32 $0x1D000, s7;
	[smem:$0x7EF] =	sst s29  }
0x41: {  	s7 =	sor.u32 $0x1F000, s7;
	s26 =	sadd.s32 s4, s21;
	[smem:$0x7F0] =	sst s30  }
0x42: {  	s20 =	simm.s32 @p0 $0x2B380;
	p0 =	seq.s32 s8, $0x5;
	[smem:$0x7F1] =	sst s15  }
0x43: {  	[smem:$0x7F2] =	sst s16;
	s18 =	sadd.s32 s5, s17;
	s23 =	sadd.s32 s5, s21  }
0x44: {  	s24 =	sadd.s32 s4, s17;
	s20 =	simm.s32 @p0 $0x19600;
	p0 =	seq.s32 s8, $0x6  }
0x45: {  	s5 =	sadd.s32 s5, s7;
	s20 =	simm.s32 @p0 $0xA80;
	p0 =	seq.s32 s8, $0x7  }
0x46: {  	s25 =	smul.u32 $0x60000, s0;
	s20 =	simm.s32 @p0 $0x22400;
	p0 =	seq.s32 s8, $0x8  }
0x47: {  	[smem:$0x7F8] =	sst s26;
	s20 =	simm.s32 @p0 $0x1B500;
	p0 =	seq.s32 s8, $0x9  }
0x48: {  	s28 =	sadd.s32 s4, s7;
	s20 =	simm.s32 @p0 $0x15580;
	p0 =	seq.s32 s8, $0xA  }
0x49: {  	s16 =	rddreg [dreg:$0x5];
	s20 =	simm.s32 @p0 $0x25000;
	p0 =	seq.s32 s8, $0xB  }
0x4a: {  	[smem:$0x7F3] =	sst s18;
	s20 =	simm.s32 @p0 $0x23080;
	p0 =	seq.s32 s8, $0xC  }
0x4b: {  	[smem:$0x7F5] =	sst s23;
	s20 =	simm.s32 @p0 $0xBD00;
	p0 =	seq.s32 s8, $0xD  }
0x4c: {  	[smem:$0x7F6] =	sst s24;
	s20 =	simm.s32 @p0 $0x2A800;
	p0 =	seq.s32 s8, $0xE  }
0x4d: {  	[smem:$0x7F7] =	sst s5;
	s20 =	simm.s32 @p0 $0xD600;
	p0 =	seq.s32 s8, $0xF  }
0x4e: {  	s17 =	sshll.u32 s0, $0x6;
	[smem:$0x7F9] =	sst s28;
	s20 =	simm.s32 @p0 $0x1BB00  }
0x4f: {  	s18 =	rddreg [dreg:$0x6];
	s8 =	sor.u32 $0x1C02, s17;
	s6 =	sadd.s32 s6, s20  }
0x50: {  	s30 =	sadd.s32 s9, s20;
	s31 =	sadd.s32 s10, s20;
	s10 =	sshrl.u32 s25, $0x2  }
0x51: {  	s14 =	sadd.s32 s11, s20;
	s29 =	sshrl.u32 s6, $0x3;
	s6 =	sshrl.u32 s30, $0x3  }
0x52: {  	s9 =	sshrl.u32 s31, $0x3;
	s13 =	sadd.s32 s10, s3;
	s5 =	sadd.s32 s4, s29  }
0x53: {  	s15 =	sshrl.u32 s14, $0x3;
	s6 =	sadd.s32 s4, s6;
	[smem:$0x7FA] =	sst s5  }
0x54: {  	s3 =	sor.u32 $0x1C01, s17;
	s12 =	sadd.s32 s4, s9;
	[smem:$0x7FB] =	sst s6  }
0x55: {  	s4 =	sadd.s32 s4, s15;
	s21 =	sadd.s32 $0x8000, s13;
	[smem:$0x7FC] =	sst s12  }
0x56: {  	[smem:$0x7FD] =	sst s4;
	s4 =	simm.s32 $0x18000;
	s5 =	sshrl.u32 s13, $0x3  }
0x57: {  	[tilespmem:s4], [sflag:$0x7] =	stream.linear.gather [hbm4b:s16+s2], $0x6680, $0x38;
	[tilespmem:$0x1E680] =	vst v63  }
0x58: {  	[spmem:s5], [sflag:s3] =	dma.local [hbm:s18], $0x1000  }
0x59: {  	s6 =	simm.s32 $0x1;
	s7 =	sshrl.u32 s21, $0x3;
	s19 =	rddreg [dreg:$0x7]  }
0x5a: {  	[spmem:s7], [sflag:s8] =	dma.local [hbm:s19], $0x1000  }
0x5b: {  	_ =	swait.ge [sflag:s6], $0x1000  }
0x5c: {  	s11 =	simm.s32 $0x2;
	s9 =	sor.u32 $0x1C04, s17;
	[sflag:s6] =	ssyncset.done $0x0  }
0x5d: {  	s10 =	sadd.s32 $0x10000, s13;
	s23 =	rddreg [dreg:$0x8];
	[sflag:s6] =	ssyncadd.s32 $0xFFFFF000  }
0x5e: {  	[hbm:s23], [sflag:s9] =	dma.local [spmem:s5], $0x1000  }
0x5f: {  	s10 =	sshrl.u32 s10, $0x3;
	s12 =	sor.u32 $0x1C03, s17;
	s24 =	rddreg [dreg:$0x9]  }
0x60: {  	[spmem:s10], [sflag:s12] =	dma.local [hbm:s24], $0x1000  }
0x61: {  	_ =	swait.ge [sflag:s11], $0x1000  }
0x62: {  	s14 =	sor.u32 $0x1C05, s17;
	[sflag:s11] =	ssyncset.done $0x0  }
0x63: {  	s13 =	simm.s32 $0x4;
	s15 =	rddreg [dreg:$0xa];
	[sflag:s11] =	ssyncadd.s32 $0xFFFFF000  }
0x64: {  	[hbm:s15], [sflag:s14] =	dma.local [spmem:s7], $0x1000  }
0x65: {  	_ =	swait.ge [sflag:s13], $0x1000  }
0x66: {  	[sflag:s13] =	ssyncset.done $0x0  }
0x67: {  	s15 =	simm.s32 $0x3;
	s16 =	rddreg [dreg:$0xb];
	[sflag:s13] =	ssyncadd.s32 $0xFFFFF000  }
0x68: {  	[spmem:s5], [sflag:s3] =	dma.local [hbm:s16], $0x1000  }
0x69: {  	_ =	swait.ge [sflag:s15], $0x1000  }
0x6a: {  	s17 =	sor.u32 $0x1C06, s17;
	[sflag:s15] =	ssyncset.done $0x0  }
0x6b: {  	s16 =	simm.s32 $0x5;
	s18 =	rddreg [dreg:$0xc];
	[sflag:s15] =	ssyncadd.s32 $0xFFFFF000  }
0x6c: {  	[hbm:s18], [sflag:s17] =	dma.local [spmem:s10], $0x1000  }
0x6d: {  	_ =	swait.ge [sflag:s16], $0x1000  }
0x6e: {  	[sflag:s16] =	ssyncset.done $0x0  }
0x6f: {  	s25 =	rddreg [dreg:$0xd];
	[sflag:s16] =	ssyncadd.s32 $0xFFFFF000  }
0x70: {  	[spmem:s7], [sflag:s8] =	dma.local [hbm:s25], $0x1000  }
0x71: {  	_ =	swait.ge [sflag:s6], $0x1000  }
0x72: {  	[sflag:s6] =	ssyncset.done $0x0  }
0x73: {  	s18 =	simm.s32 $0x6;
	s19 =	rddreg [dreg:$0xe];
	[sflag:s6] =	ssyncadd.s32 $0xFFFFF000  }
0x74: {  	[hbm:s19], [sflag:s9] =	dma.local [spmem:s5], $0x1000  }
0x75: {  	_ =	swait.ge [sflag:s18], $0x1000  }
0x76: {  	[sflag:s18] =	ssyncset.done $0x0  }
0x77: {  	s26 =	rddreg [dreg:$0xf];
	[sflag:s18] =	ssyncadd.s32 $0xFFFFF000  }
0x78: {  	[spmem:s10], [sflag:s12] =	dma.local [hbm:s26], $0x1000  }
0x79: {  	_ =	swait.ge [sflag:s11], $0x1000  }
0x7a: {  	[sflag:s11] =	ssyncset.done $0x0  }
0x7b: {  	s28 =	rddreg [dreg:$0x10];
	[sflag:s11] =	ssyncadd.s32 $0xFFFFF000  }
0x7c: {  	[hbm:s28], [sflag:s14] =	dma.local [spmem:s7], $0x1000  }
0x7d: {  	_ =	swait.ge [sflag:s13], $0x1000  }
0x7e: {  	[sflag:s13] =	ssyncset.done $0x0  }
0x7f: {  	s29 =	rddreg [dreg:$0x11];
	[sflag:s13] =	ssyncadd.s32 $0xFFFFF000  }
0x80: {  	[spmem:s5], [sflag:s3] =	dma.local [hbm:s29], $0x1000  }
0x81: {  	_ =	swait.ge [sflag:s15], $0x1000  }
0x82: {  	[sflag:s15] =	ssyncset.done $0x0  }
0x83: {  	s30 =	rddreg [dreg:$0x12];
	[sflag:s15] =	ssyncadd.s32 $0xFFFFF000  }
0x84: {  	[hbm:s30], [sflag:s17] =	dma.local [spmem:s10], $0x1000  }
0x85: {  	_ =	swait.ge [sflag:s16], $0x1000  }
0x86: {  	[sflag:s16] =	ssyncset.done $0x0  }
0x87: {  	s31 =	rddreg [dreg:$0x13];
	[sflag:s16] =	ssyncadd.s32 $0xFFFFF000  }
0x88: {  	[spmem:s7], [sflag:s8] =	dma.local [hbm:s31], $0x1000  }
0x89: {  	_ =	swait.ge [sflag:s6], $0x1000  }
0x8a: {  	[sflag:s6] =	ssyncset.done $0x0  }
0x8b: {  	s21 =	rddreg [dreg:$0x14];
	[sflag:s6] =	ssyncadd.s32 $0xFFFFF000  }
0x8c: {  	[hbm:s21], [sflag:s9] =	dma.local [spmem:s5], $0x1000  }
0x8d: {  	_ =	swait.ge [sflag:s18], $0x1000  }
0x8e: {  	[sflag:s18] =	ssyncset.done $0x0  }
0x8f: {  	s23 =	rddreg [dreg:$0x15];
	[sflag:s18] =	ssyncadd.s32 $0xFFFFF000  }
0x90: {  	[spmem:s10], [sflag:s12] =	dma.local [hbm:s23], $0x1000  }
0x91: {  	_ =	swait.ge [sflag:s11], $0x1000  }
0x92: {  	[sflag:s11] =	ssyncset.done $0x0  }
0x93: {  	s24 =	rddreg [dreg:$0x16];
	[sflag:s11] =	ssyncadd.s32 $0xFFFFF000  }
0x94: {  	[hbm:s24], [sflag:s14] =	dma.local [spmem:s7], $0x1000  }
0x95: {  	_ =	swait.ge [sflag:s13], $0x1000  }
0x96: {  	[sflag:s13] =	ssyncset.done $0x0  }
0x97: {  	s25 =	rddreg [dreg:$0x17];
	[sflag:s13] =	ssyncadd.s32 $0xFFFFF000  }
0x98: {  	[spmem:s5], [sflag:s3] =	dma.local [hbm:s25], $0x1000  }
0x99: {  	_ =	swait.ge [sflag:s15], $0x1000  }
0x9a: {  	[sflag:s15] =	ssyncset.done $0x0  }
0x9b: {  	s26 =	rddreg [dreg:$0x18];
	[sflag:s15] =	ssyncadd.s32 $0xFFFFF000  }
0x9c: {  	[hbm:s26], [sflag:s17] =	dma.local [spmem:s10], $0x1000  }
0x9d: {  	_ =	swait.ge [sflag:s16], $0x1000  }
0x9e: {  	[sflag:s16] =	ssyncset.done $0x0  }
0x9f: {  	s28 =	rddreg [dreg:$0x19];
	[sflag:s16] =	ssyncadd.s32 $0xFFFFF000  }
0xa0: {  	[spmem:s7], [sflag:s8] =	dma.local [hbm:s28], $0x1000  }
0xa1: {  	_ =	swait.ge [sflag:s6], $0x1000  }
0xa2: {  	[sflag:s6] =	ssyncset.done $0x0  }
0xa3: {  	s29 =	rddreg [dreg:$0x1a];
	[sflag:s6] =	ssyncadd.s32 $0xFFFFF000  }
0xa4: {  	[hbm:s29], [sflag:s9] =	dma.local [spmem:s5], $0x1000  }
0xa5: {  	_ =	swait.ge [sflag:s18], $0x1000  }
0xa6: {  	[sflag:s18] =	ssyncset.done $0x0  }
0xa7: {  	s30 =	rddreg [dreg:$0x1b];
	[sflag:s18] =	ssyncadd.s32 $0xFFFFF000  }
0xa8: {  	[spmem:s10], [sflag:s12] =	dma.local [hbm:s30], $0x1000  }
0xa9: {  	_ =	swait.ge [sflag:s11], $0x1000  }
0xaa: {  	[sflag:s11] =	ssyncset.done $0x0  }
0xab: {  	s31 =	rddreg [dreg:$0x1c];
	[sflag:s11] =	ssyncadd.s32 $0xFFFFF000  }
0xac: {  	[hbm:s31], [sflag:s14] =	dma.local [spmem:s7], $0x1000  }
0xad: {  	_ =	swait.ge [sflag:s13], $0x1000  }
0xae: {  	[sflag:s13] =	ssyncset.done $0x0  }
0xaf: {  	s21 =	rddreg [dreg:$0x1d];
	[sflag:s13] =	ssyncadd.s32 $0xFFFFF000  }
0xb0: {  	[spmem:s5], [sflag:s3] =	dma.local [hbm:s21], $0x1000  }
0xb1: {  	_ =	swait.ge [sflag:s15], $0x1000  }
0xb2: {  	[sflag:s15] =	ssyncset.done $0x0  }
0xb3: {  	s23 =	rddreg [dreg:$0x1e];
	[sflag:s15] =	ssyncadd.s32 $0xFFFFF000  }
0xb4: {  	[hbm:s23], [sflag:s17] =	dma.local [spmem:s10], $0x1000  }
0xb5: {  	_ =	swait.ge [sflag:s16], $0x1000  }
0xb6: {  	[sflag:s16] =	ssyncset.done $0x0  }
0xb7: {  	s24 =	rddreg [dreg:$0x1f];
	[sflag:s16] =	ssyncadd.s32 $0xFFFFF000  }
0xb8: {  	[spmem:s7], [sflag:s8] =	dma.local [hbm:s24], $0x1000  }
0xb9: {  	_ =	swait.ge [sflag:s6], $0x1000  }
0xba: {  	s25 =	sld [smem:$0x7D4]  }
0xbb: {  	[sflag:s6] =	ssyncset.done $0x0  }
0xbc: {  	[sflag:s6] =	ssyncadd.s32 $0xFFFFF000  }
0xbd: {  	[hbm:s25], [sflag:s9] =	dma.local [spmem:s5], $0x1000  }
0xbe: {  	_ =	swait.ge [sflag:s18], $0x1000  }
0xbf: {  	s26 =	sld [smem:$0x7D5]  }
0xc0: {  	[sflag:s18] =	ssyncset.done $0x0  }
0xc1: {  	[sflag:s18] =	ssyncadd.s32 $0xFFFFF000  }
0xc2: {  	[spmem:s10], [sflag:s12] =	dma.local [hbm:s26], $0x1000  }
0xc3: {  	_ =	swait.ge [sflag:s11], $0x1000  }
0xc4: {  	s28 =	sld [smem:$0x7D6]  }
0xc5: {  	[sflag:s11] =	ssyncset.done $0x0  }
0xc6: {  	[sflag:s11] =	ssyncadd.s32 $0xFFFFF000  }
0xc7: {  	[hbm:s28], [sflag:s14] =	dma.local [spmem:s7], $0x1000  }
0xc8: {  	_ =	swait.ge [sflag:s13], $0x1000  }
0xc9: {  	s29 =	sld [smem:$0x7D7]  }
0xca: {  	[sflag:s13] =	ssyncset.done $0x0  }
0xcb: {  	[sflag:s13] =	ssyncadd.s32 $0xFFFFF000  }
0xcc: {  	[spmem:s5], [sflag:s3] =	dma.local [hbm:s29], $0x1000  }
0xcd: {  	_ =	swait.ge [sflag:s15], $0x1000  }
0xce: {  	s30 =	sld [smem:$0x7D8]  }
0xcf: {  	[sflag:s15] =	ssyncset.done $0x0  }
0xd0: {  	[sflag:s15] =	ssyncadd.s32 $0xFFFFF000  }
0xd1: {  	[hbm:s30], [sflag:s17] =	dma.local [spmem:s10], $0x1000  }
0xd2: {  	_ =	swait.ge [sflag:s16], $0x1000  }
0xd3: {  	s31 =	sld [smem:$0x7D9]  }
0xd4: {  	[sflag:s16] =	ssyncset.done $0x0  }
0xd5: {  	[sflag:s16] =	ssyncadd.s32 $0xFFFFF000  }
0xd6: {  	[spmem:s7], [sflag:s8] =	dma.local [hbm:s31], $0x1000  }
0xd7: {  	_ =	swait.ge [sflag:s6], $0x1000  }
0xd8: {  	s21 =	sld [smem:$0x7DA]  }
0xd9: {  	[sflag:s6] =	ssyncset.done $0x0  }
0xda: {  	[sflag:s6] =	ssyncadd.s32 $0xFFFFF000  }
0xdb: {  	[hbm:s21], [sflag:s9] =	dma.local [spmem:s5], $0x1000  }
0xdc: {  	_ =	swait.ge [sflag:s18], $0x1000  }
0xdd: {  	s23 =	sld [smem:$0x7DB]  }
0xde: {  	[sflag:s18] =	ssyncset.done $0x0  }
0xdf: {  	[sflag:s18] =	ssyncadd.s32 $0xFFFFF000  }
0xe0: {  	[spmem:s10], [sflag:s12] =	dma.local [hbm:s23], $0x1000  }
0xe1: {  	_ =	swait.ge [sflag:s11], $0x1000  }
0xe2: {  	s24 =	sld [smem:$0x7DC]  }
0xe3: {  	[sflag:s11] =	ssyncset.done $0x0  }
0xe4: {  	[sflag:s11] =	ssyncadd.s32 $0xFFFFF000  }
0xe5: {  	[hbm:s24], [sflag:s14] =	dma.local [spmem:s7], $0x1000  }
0xe6: {  	_ =	swait.ge [sflag:s13], $0x1000  }
0xe7: {  	s25 =	sld [smem:$0x7DD]  }
0xe8: {  	[sflag:s13] =	ssyncset.done $0x0  }
0xe9: {  	[sflag:s13] =	ssyncadd.s32 $0xFFFFF000  }
0xea: {  	[spmem:s5], [sflag:s3] =	dma.local [hbm:s25], $0x1000  }
0xeb: {  	_ =	swait.ge [sflag:s15], $0x1000  }
0xec: {  	s26 =	sld [smem:$0x7DE]  }
0xed: {  	[sflag:s15] =	ssyncset.done $0x0  }
0xee: {  	[sflag:s15] =	ssyncadd.s32 $0xFFFFF000  }
0xef: {  	[hbm:s26], [sflag:s17] =	dma.local [spmem:s10], $0x1000  }
0xf0: {  	_ =	swait.ge [sflag:s16], $0x1000  }
0xf1: {  	s28 =	sld [smem:$0x7DF]  }
0xf2: {  	[sflag:s16] =	ssyncset.done $0x0  }
0xf3: {  	[sflag:s16] =	ssyncadd.s32 $0xFFFFF000  }
0xf4: {  	[spmem:s7], [sflag:s8] =	dma.local [hbm:s28], $0x1000  }
0xf5: {  	_ =	swait.ge [sflag:s6], $0x1000  }
0xf6: {  	s29 =	sld [smem:$0x7E0]  }
0xf7: {  	[sflag:s6] =	ssyncset.done $0x0  }
0xf8: {  	[sflag:s6] =	ssyncadd.s32 $0xFFFFF000  }
0xf9: {  	[hbm:s29], [sflag:s9] =	dma.local [spmem:s5], $0x1000  }
0xfa: {  	_ =	swait.ge [sflag:s18], $0x1000  }
0xfb: {  	s30 =	sld [smem:$0x7E1]  }
0xfc: {  	[sflag:s18] =	ssyncset.done $0x0  }
0xfd: {  	[sflag:s18] =	ssyncadd.s32 $0xFFFFF000  }
0xfe: {  	[spmem:s10], [sflag:s12] =	dma.local [hbm:s30], $0x1000  }
0xff: {  	_ =	swait.ge [sflag:s11], $0x1000  }
0x100: {  	s31 =	sld [smem:$0x7E2]  }
0x101: {  	[sflag:s11] =	ssyncset.done $0x0  }
0x102: {  	[sflag:s11] =	ssyncadd.s32 $0xFFFFF000  }
0x103: {  	[hbm:s31], [sflag:s14] =	dma.local [spmem:s7], $0x1000  }
0x104: {  	_ =	swait.ge [sflag:s13], $0x1000  }
0x105: {  	s21 =	sld [smem:$0x7E3]  }
0x106: {  	[sflag:s13] =	ssyncset.done $0x0  }
0x107: {  	[sflag:s13] =	ssyncadd.s32 $0xFFFFF000  }
0x108: {  	[spmem:s5], [sflag:s3] =	dma.local [hbm:s21], $0x1000  }
0x109: {  	_ =	swait.ge [sflag:s15], $0x1000  }
0x10a: {  	s23 =	sld [smem:$0x7E4]  }
0x10b: {  	[sflag:s15] =	ssyncset.done $0x0  }
0x10c: {  	[sflag:s15] =	ssyncadd.s32 $0xFFFFF000  }
0x10d: {  	[hbm:s23], [sflag:s17] =	dma.local [spmem:s10], $0x1000  }
0x10e: {  	_ =	swait.ge [sflag:s16], $0x1000  }
0x10f: {  	s24 =	sld [smem:$0x7E5]  }
0x110: {  	[sflag:s16] =	ssyncset.done $0x0  }
0x111: {  	[sflag:s16] =	ssyncadd.s32 $0xFFFFF000  }
0x112: {  	[spmem:s7], [sflag:s8] =	dma.local [hbm:s24], $0x1000  }
0x113: {  	_ =	swait.ge [sflag:s6], $0x1000  }
0x114: {  	s25 =	sld [smem:$0x7E6]  }
0x115: {  	[sflag:s6] =	ssyncset.done $0x0  }
0x116: {  	[sflag:s6] =	ssyncadd.s32 $0xFFFFF000  }
0x117: {  	[hbm:s25], [sflag:s9] =	dma.local [spmem:s5], $0x1000  }
0x118: {  	_ =	swait.ge [sflag:s18], $0x1000  }
0x119: {  	s26 =	sld [smem:$0x7E7]  }
0x11a: {  	[sflag:s18] =	ssyncset.done $0x0  }
0x11b: {  	[sflag:s18] =	ssyncadd.s32 $0xFFFFF000  }
0x11c: {  	[spmem:s10], [sflag:s12] =	dma.local [hbm:s26], $0x1000  }
0x11d: {  	_ =	swait.ge [sflag:s11], $0x1000  }
0x11e: {  	s28 =	sld [smem:$0x7E8]  }
0x11f: {  	[sflag:s11] =	ssyncset.done $0x0  }
0x120: {  	[sflag:s11] =	ssyncadd.s32 $0xFFFFF000  }
0x121: {  	[hbm:s28], [sflag:s14] =	dma.local [spmem:s7], $0x1000  }
0x122: {  	_ =	swait.ge [sflag:s13], $0x1000  }
0x123: {  	s29 =	sld [smem:$0x7E9]  }
0x124: {  	[sflag:s13] =	ssyncset.done $0x0  }
0x125: {  	[sflag:s13] =	ssyncadd.s32 $0xFFFFF000  }
0x126: {  	[spmem:s5], [sflag:s3] =	dma.local [hbm:s29], $0x1000  }
0x127: {  	_ =	swait.ge [sflag:s15], $0x1000  }
0x128: {  	s30 =	sld [smem:$0x7EA]  }
0x129: {  	[sflag:s15] =	ssyncset.done $0x0  }
0x12a: {  	[sflag:s15] =	ssyncadd.s32 $0xFFFFF000  }
0x12b: {  	[hbm:s30], [sflag:s17] =	dma.local [spmem:s10], $0x1000  }
0x12c: {  	_ =	swait.ge [sflag:s16], $0x1000  }
0x12d: {  	s31 =	sld [smem:$0x7EB]  }
0x12e: {  	[sflag:s16] =	ssyncset.done $0x0  }
0x12f: {  	[sflag:s16] =	ssyncadd.s32 $0xFFFFF000  }
0x130: {  	[spmem:s7], [sflag:s8] =	dma.local [hbm:s31], $0x1000  }
0x131: {  	_ =	swait.ge [sflag:s6], $0x1000  }
0x132: {  	s21 =	sld [smem:$0x7EC]  }
0x133: {  	[sflag:s6] =	ssyncset.done $0x0  }
0x134: {  	[sflag:s6] =	ssyncadd.s32 $0xFFFFF000  }
0x135: {  	[hbm:s21], [sflag:s9] =	dma.local [spmem:s5], $0x1000  }
0x136: {  	_ =	swait.ge [sflag:s18], $0x1000  }
0x137: {  	s23 =	sld [smem:$0x7ED]  }
0x138: {  	[sflag:s18] =	ssyncset.done $0x0  }
0x139: {  	[sflag:s18] =	ssyncadd.s32 $0xFFFFF000  }
0x13a: {  	[spmem:s10], [sflag:s12] =	dma.local [hbm:s23], $0x1000  }
0x13b: {  	_ =	swait.ge [sflag:s11], $0x1000  }
0x13c: {  	s24 =	sld [smem:$0x7EE]  }
0x13d: {  	[sflag:s11] =	ssyncset.done $0x0  }
0x13e: {  	[sflag:s11] =	ssyncadd.s32 $0xFFFFF000  }
0x13f: {  	[hbm:s24], [sflag:s14] =	dma.local [spmem:s7], $0x1000  }
0x140: {  	_ =	swait.ge [sflag:s13], $0x1000  }
0x141: {  	s25 =	sld [smem:$0x7EF]  }
0x142: {  	[sflag:s13] =	ssyncset.done $0x0  }
0x143: {  	[sflag:s13] =	ssyncadd.s32 $0xFFFFF000  }
0x144: {  	[spmem:s5], [sflag:s3] =	dma.local [hbm:s25], $0x1000  }
0x145: {  	_ =	swait.ge [sflag:s15], $0x1000  }
0x146: {  	s26 =	sld [smem:$0x7F0]  }
0x147: {  	[sflag:s15] =	ssyncset.done $0x0  }
0x148: {  	[sflag:s15] =	ssyncadd.s32 $0xFFFFF000  }
0x149: {  	[hbm:s26], [sflag:s17] =	dma.local [spmem:s10], $0x1000  }
0x14a: {  	_ =	swait.ge [sflag:s16], $0x1000  }
0x14b: {  	s28 =	sld [smem:$0x7F1]  }
0x14c: {  	[sflag:s16] =	ssyncset.done $0x0  }
0x14d: {  	[sflag:s16] =	ssyncadd.s32 $0xFFFFF000  }
0x14e: {  	[spmem:s7], [sflag:s8] =	dma.local [hbm:s28], $0x1000  }
0x14f: {  	_ =	swait.ge [sflag:s6], $0x1000  }
0x150: {  	s29 =	sld [smem:$0x7F2]  }
0x151: {  	[sflag:s6] =	ssyncset.done $0x0  }
0x152: {  	[sflag:s6] =	ssyncadd.s32 $0xFFFFF000  }
0x153: {  	[hbm:s29], [sflag:s9] =	dma.local [spmem:s5], $0x1000  }
0x154: {  	_ =	swait.ge [sflag:s18], $0x1000  }
0x155: {  	s30 =	sld [smem:$0x7F3]  }
0x156: {  	[sflag:s18] =	ssyncset.done $0x0  }
0x157: {  	[sflag:s18] =	ssyncadd.s32 $0xFFFFF000  }
0x158: {  	[spmem:s10], [sflag:s12] =	dma.local [hbm:s30], $0x1000  }
0x159: {  	_ =	swait.ge [sflag:s11], $0x1000  }
0x15a: {  	s31 =	sld [smem:$0x7F4]  }
0x15b: {  	[sflag:s11] =	ssyncset.done $0x0  }
0x15c: {  	[sflag:s11] =	ssyncadd.s32 $0xFFFFF000  }
0x15d: {  	[hbm:s31], [sflag:s14] =	dma.local [spmem:s7], $0x1000  }
0x15e: {  	_ =	swait.ge [sflag:s13], $0x1000  }
0x15f: {  	s21 =	sld [smem:$0x7F5]  }
0x160: {  	[sflag:s13] =	ssyncset.done $0x0  }
0x161: {  	[sflag:s13] =	ssyncadd.s32 $0xFFFFF000  }
0x162: {  	[spmem:s5], [sflag:s3] =	dma.local [hbm:s21], $0x1000  }
0x163: {  	_ =	swait.ge [sflag:s15], $0x1000  }
0x164: {  	s23 =	sld [smem:$0x7F6]  }
0x165: {  	[sflag:s15] =	ssyncset.done $0x0  }
0x166: {  	[sflag:s15] =	ssyncadd.s32 $0xFFFFF000  }
0x167: {  	[hbm:s23], [sflag:s17] =	dma.local [spmem:s10], $0x1000  }
0x168: {  	_ =	swait.ge [sflag:s16], $0x1000  }
0x169: {  	s24 =	sld [smem:$0x7F7]  }
0x16a: {  	[sflag:s16] =	ssyncset.done $0x0  }
0x16b: {  	[sflag:s16] =	ssyncadd.s32 $0xFFFFF000  }
0x16c: {  	[spmem:s7], [sflag:s8] =	dma.local [hbm:s24], $0x1000  }
0x16d: {  	_ =	swait.ge [sflag:s6], $0x1000  }
0x16e: {  	s25 =	sld [smem:$0x7F8]  }
0x16f: {  	[sflag:s6] =	ssyncset.done $0x0  }
0x170: {  	[sflag:s6] =	ssyncadd.s32 $0xFFFFF000  }
0x171: {  	[hbm:s25], [sflag:s9] =	dma.local [spmem:s5], $0x1000  }
0x172: {  	_ =	swait.ge [sflag:s11], $0x1000  }
0x173: {  	s26 =	sld [smem:$0x7F9]  }
0x174: {  	[sflag:s11] =	ssyncset.done $0x0  }
0x175: {  	[sflag:s11] =	ssyncadd.s32 $0xFFFFF000  }
0x176: {  	[hbm:s26], [sflag:s14] =	dma.local [spmem:s7], $0x1000  }
0x177: {  	_ =	swait.ge [sflag:s13], $0x1000  }
0x178: {  	[sflag:s13] =	ssyncset.done $0x0  }
0x179: {  	[sflag:s13] =	ssyncadd.s32 $0xFFFFF000  }
0x17a: {  	_ =	swait.ge [sflag:s16], $0x1000  }
0x17b: {  	[sflag:s16] =	ssyncset.done $0x0  }
0x17c: {  	[sflag:s16] =	ssyncadd.s32 $0xFFFFF000  }
0x17d: {  	_ =	swait.ge [sflag:s18], $0x1000  }
0x17e: {  	[sflag:s18] =	ssyncset.done $0x0  }
0x17f: {  	s19 =	simm.s32 $0x7;
	[sflag:s18] =	ssyncadd.s32 $0xFFFFF000  }
0x180: {  	_ =	swait.ge [sflag:s19], $0x6680  }
0x181: {  	s21 =	sld [smem:$0x7FF]  }
0x182: {  	s20 =	sand.u32 $0x7, s20  }
0x183: {  	p0 =	seq.s32 s20, $0x0  }
0x184: {  	p1 =	sne.s32 @!p0 s21, $0x1  }
0x185: {  	s20 =	sadd.s32 $0x3FEA, s0;
	[sflag:s19] =	ssyncset.done $0x0;
	p1 =	por !p1, p0  }
0x186: {  	[sflag:s19] =	ssyncadd.s32 $0xFFFF9980;
	s21 =	sor.u32 @!p1 $0x100000, s20  }
0x187: {  	[smem:s21], [sflag:$0x0] =	smem.add.s32 @!p1 $0x14E;
	s21 =	simm.s32 @!p1 $0x0  }
0x188: {  	s23 =	simm.s32 @!p1 $0x1;
	_ =	swait.done @!p1 [sflag:s21]  }
0x189: {  	[smem:$0x7FF] =	sst @!p1 s23  }
0x18a: {  	_ =	sint @!p1 $0x2  }
0x18b: {  	_ =	swait.notdone @!p1 [sflag:s21]  }
0x18c: {  	s21 =	sld [smem:$0x7FF]  }
0x18d: {  	s28 =	sld [smem:$0x7FA];
	_ =	sdelay $0x1  }
0x18e: {  	p1 =	sne.s32 @!p0 s21, $0x1  }
0x18f: {  	[hbm4b:s28+s2] =	stream.linear.scatter [tilespmem:s4], [sflag:$0x8], $0x6680, $0x38;
	[tilespmem:$0x1E680] =	vst v63  }
0x190: {  	p1 =	por !p1, p0  }
0x191: {  	s23 =	sor.u32 @!p1 $0x100000, s20  }
0x192: {  	[smem:s23], [sflag:$0x0] =	smem.add.s32 @!p1 $0x152;
	s23 =	simm.s32 @!p1 $0x0  }
0x193: {  	s21 =	simm.s32 @!p1 $0x1;
	_ =	swait.done @!p1 [sflag:s23]  }
0x194: {  	[smem:$0x7FF] =	sst @!p1 s21  }
0x195: {  	_ =	sint @!p1 $0x2  }
0x196: {  	_ =	swait.notdone @!p1 [sflag:s23]  }
0x197: {  	s21 =	sld [smem:$0x7FF]  }
0x198: {  	s29 =	sld [smem:$0x7FB];
	_ =	sdelay $0x1  }
0x199: {  	p1 =	sne.s32 @!p0 s21, $0x1  }
0x19a: {  	[hbm4b:s29+s2] =	stream.linear.scatter [tilespmem:s4], [sflag:$0x8], $0x6680, $0x38;
	[tilespmem:$0x1E680] =	vst v63  }
0x19b: {  	p1 =	por !p1, p0  }
0x19c: {  	s23 =	sor.u32 @!p1 $0x100000, s20  }
0x19d: {  	[smem:s23], [sflag:$0x0] =	smem.add.s32 @!p1 $0x156;
	s23 =	simm.s32 @!p1 $0x0  }
0x19e: {  	s21 =	simm.s32 @!p1 $0x1;
	_ =	swait.done @!p1 [sflag:s23]  }
0x19f: {  	[smem:$0x7FF] =	sst @!p1 s21  }
0x1a0: {  	_ =	sint @!p1 $0x2  }
0x1a1: {  	_ =	swait.notdone @!p1 [sflag:s23]  }
0x1a2: {  	s21 =	sld [smem:$0x7FF]  }
0x1a3: {  	s30 =	sld [smem:$0x7FC];
	_ =	sdelay $0x1  }
0x1a4: {  	p1 =	sne.s32 @!p0 s21, $0x1  }
0x1a5: {  	[hbm4b:s30+s2] =	stream.linear.scatter [tilespmem:s4], [sflag:$0x8], $0x6680, $0x38;
	[tilespmem:$0x1E680] =	vst v63  }
0x1a6: {  	p1 =	por !p1, p0  }
0x1a7: {  	s23 =	sor.u32 @!p1 $0x100000, s20  }
0x1a8: {  	[smem:s23], [sflag:$0x0] =	smem.add.s32 @!p1 $0x15A;
	s23 =	simm.s32 @!p1 $0x0  }
0x1a9: {  	s21 =	simm.s32 @!p1 $0x1;
	_ =	swait.done @!p1 [sflag:s23]  }
0x1aa: {  	[smem:$0x7FF] =	sst @!p1 s21  }
0x1ab: {  	_ =	sint @!p1 $0x2  }
0x1ac: {  	_ =	swait.notdone @!p1 [sflag:s23]  }
0x1ad: {  	s22 =	ssub.s32 $0x2, s22;
	s23 =	sld [smem:$0x7FD]  }
0x1ae: {  	s31 =	sshrl.u32 s22, $0x1  }
0x1af: {  	s22 =	ssub.s32 s22, s31;
	s21 =	simm.s32 $0x8  }
0x1b0: {  	[hbm4b:s23+s2] =	stream.linear.scatter [tilespmem:s4], [sflag:$0x8], $0x6680, $0x38;
	[tilespmem:$0x1E680] =	vst v63  }
0x1b1: {  	s22 =	smax.u32 s22, $0x1;
	_ =	swait.ge [sflag:s21], $0x6680  }
0x1b2: {  	s22 =	sadd.s32 $0xFFFFFFFF, s22;
	[sflag:s21] =	ssyncset.done $0x0  }
0x1b3: {  	p1 =	sne.s32 s22, $0x0;
	[sflag:s21] =	ssyncadd.s32 $0xFFFF9980  }
.Ltmp0:
0x1b4: {  	_ =	swait.ge [sflag:s21], $0x6680;
	(pc) =	sbr.rel @!p1 .LBB2_2-.Ltmp0, $4  }
0x1b5: {  	[sflag:s21] =	ssyncset.done $0x0  }
0x1b6: {  	[sflag:s21] =	ssyncadd.s32 $0xFFFF9980  }
0x1b7: {  	_ =	swait.ge [sflag:s21], $0x6680  }
0x1b8: {  	[sflag:s21] =	ssyncset.done $0x0  }
.LBB2_1:
0x1b9: {  	[sflag:s21] =	ssyncadd.s32 $0xFFFF9980  }
0x1ba: {  	_ =	swait.ge [sflag:s21], $0x6680  }
0x1bb: {  	s23 =	rddreg [dreg:$0x5];
	[sflag:s21] =	ssyncset.done $0x0  }
0x1bc: {  	s24 =	rddreg [dreg:$0x6];
	[sflag:s21] =	ssyncadd.s32 $0xFFFF9980  }
0x1bd: {  	[tilespmem:s4], [sflag:$0x7] =	stream.linear.gather [hbm4b:s23+s2], $0x6680, $0x38;
	[tilespmem:$0x1E680] =	vst v63  }
0x1be: {  	[spmem:s5], [sflag:s3] =	dma.local [hbm:s24], $0x1000  }
0x1bf: {  	s30 =	rddreg [dreg:$0x7]  }
0x1c0: {  	[spmem:s7], [sflag:s8] =	dma.local [hbm:s30], $0x1000  }
0x1c1: {  	_ =	swait.ge [sflag:s6], $0x1000  }
0x1c2: {  	[sflag:s6] =	ssyncset.done $0x0  }
0x1c3: {  	s31 =	rddreg [dreg:$0x8];
	[sflag:s6] =	ssyncadd.s32 $0xFFFFF000  }
0x1c4: {  	[hbm:s31], [sflag:s9] =	dma.local [spmem:s5], $0x1000  }
0x1c5: {  	s23 =	rddreg [dreg:$0x9]  }
0x1c6: {  	[spmem:s10], [sflag:s12] =	dma.local [hbm:s23], $0x1000  }
0x1c7: {  	_ =	swait.ge [sflag:s11], $0x1000  }
0x1c8: {  	[sflag:s11] =	ssyncset.done $0x0  }
0x1c9: {  	s24 =	rddreg [dreg:$0xa];
	[sflag:s11] =	ssyncadd.s32 $0xFFFFF000  }
0x1ca: {  	[hbm:s24], [sflag:s14] =	dma.local [spmem:s7], $0x1000  }
0x1cb: {  	_ =	swait.ge [sflag:s13], $0x1000  }
0x1cc: {  	[sflag:s13] =	ssyncset.done $0x0  }
0x1cd: {  	s25 =	rddreg [dreg:$0xb];
	[sflag:s13] =	ssyncadd.s32 $0xFFFFF000  }
0x1ce: {  	[spmem:s5], [sflag:s3] =	dma.local [hbm:s25], $0x1000  }
0x1cf: {  	_ =	swait.ge [sflag:s15], $0x1000  }
0x1d0: {  	[sflag:s15] =	ssyncset.done $0x0  }
0x1d1: {  	s26 =	rddreg [dreg:$0xc];
	[sflag:s15] =	ssyncadd.s32 $0xFFFFF000  }
0x1d2: {  	[hbm:s26], [sflag:s17] =	dma.local [spmem:s10], $0x1000  }
0x1d3: {  	_ =	swait.ge [sflag:s16], $0x1000  }
0x1d4: {  	[sflag:s16] =	ssyncset.done $0x0  }
0x1d5: {  	s28 =	rddreg [dreg:$0xd];
	[sflag:s16] =	ssyncadd.s32 $0xFFFFF000  }
0x1d6: {  	[spmem:s7], [sflag:s8] =	dma.local [hbm:s28], $0x1000  }
0x1d7: {  	_ =	swait.ge [sflag:s6], $0x1000  }
0x1d8: {  	[sflag:s6] =	ssyncset.done $0x0  }
0x1d9: {  	s29 =	rddreg [dreg:$0xe];
	[sflag:s6] =	ssyncadd.s32 $0xFFFFF000  }
0x1da: {  	[hbm:s29], [sflag:s9] =	dma.local [spmem:s5], $0x1000  }
0x1db: {  	_ =	swait.ge [sflag:s18], $0x1000  }
0x1dc: {  	[sflag:s18] =	ssyncset.done $0x0  }
0x1dd: {  	s30 =	rddreg [dreg:$0xf];
	[sflag:s18] =	ssyncadd.s32 $0xFFFFF000  }
0x1de: {  	[spmem:s10], [sflag:s12] =	dma.local [hbm:s30], $0x1000  }
0x1df: {  	_ =	swait.ge [sflag:s11], $0x1000  }
0x1e0: {  	[sflag:s11] =	ssyncset.done $0x0  }
0x1e1: {  	s31 =	rddreg [dreg:$0x10];
	[sflag:s11] =	ssyncadd.s32 $0xFFFFF000  }
0x1e2: {  	[hbm:s31], [sflag:s14] =	dma.local [spmem:s7], $0x1000  }
0x1e3: {  	_ =	swait.ge [sflag:s13], $0x1000  }
0x1e4: {  	[sflag:s13] =	ssyncset.done $0x0  }
0x1e5: {  	s24 =	rddreg [dreg:$0x11];
	[sflag:s13] =	ssyncadd.s32 $0xFFFFF000  }
0x1e6: {  	[spmem:s5], [sflag:s3] =	dma.local [hbm:s24], $0x1000  }
0x1e7: {  	_ =	swait.ge [sflag:s15], $0x1000  }
0x1e8: {  	[sflag:s15] =	ssyncset.done $0x0  }
0x1e9: {  	s25 =	rddreg [dreg:$0x12];
	[sflag:s15] =	ssyncadd.s32 $0xFFFFF000  }
0x1ea: {  	[hbm:s25], [sflag:s17] =	dma.local [spmem:s10], $0x1000  }
0x1eb: {  	_ =	swait.ge [sflag:s16], $0x1000  }
0x1ec: {  	[sflag:s16] =	ssyncset.done $0x0  }
0x1ed: {  	s26 =	rddreg [dreg:$0x13];
	[sflag:s16] =	ssyncadd.s32 $0xFFFFF000  }
0x1ee: {  	[spmem:s7], [sflag:s8] =	dma.local [hbm:s26], $0x1000  }
0x1ef: {  	_ =	swait.ge [sflag:s6], $0x1000  }
0x1f0: {  	[sflag:s6] =	ssyncset.done $0x0  }
0x1f1: {  	s28 =	rddreg [dreg:$0x14];
	[sflag:s6] =	ssyncadd.s32 $0xFFFFF000  }
0x1f2: {  	[hbm:s28], [sflag:s9] =	dma.local [spmem:s5], $0x1000  }
0x1f3: {  	_ =	swait.ge [sflag:s18], $0x1000  }
0x1f4: {  	[sflag:s18] =	ssyncset.done $0x0  }
0x1f5: {  	s29 =	rddreg [dreg:$0x15];
	[sflag:s18] =	ssyncadd.s32 $0xFFFFF000  }
0x1f6: {  	[spmem:s10], [sflag:s12] =	dma.local [hbm:s29], $0x1000  }
0x1f7: {  	_ =	swait.ge [sflag:s11], $0x1000  }
0x1f8: {  	[sflag:s11] =	ssyncset.done $0x0  }
0x1f9: {  	s30 =	rddreg [dreg:$0x16];
	[sflag:s11] =	ssyncadd.s32 $0xFFFFF000  }
0x1fa: {  	[hbm:s30], [sflag:s14] =	dma.local [spmem:s7], $0x1000  }
0x1fb: {  	_ =	swait.ge [sflag:s13], $0x1000  }
0x1fc: {  	[sflag:s13] =	ssyncset.done $0x0  }
0x1fd: {  	s31 =	rddreg [dreg:$0x17];
	[sflag:s13] =	ssyncadd.s32 $0xFFFFF000  }
0x1fe: {  	[spmem:s5], [sflag:s3] =	dma.local [hbm:s31], $0x1000  }
0x1ff: {  	_ =	swait.ge [sflag:s15], $0x1000  }
0x200: {  	[sflag:s15] =	ssyncset.done $0x0  }
0x201: {  	s24 =	rddreg [dreg:$0x18];
	[sflag:s15] =	ssyncadd.s32 $0xFFFFF000  }
0x202: {  	[hbm:s24], [sflag:s17] =	dma.local [spmem:s10], $0x1000  }
0x203: {  	_ =	swait.ge [sflag:s16], $0x1000  }
0x204: {  	[sflag:s16] =	ssyncset.done $0x0  }
0x205: {  	s25 =	rddreg [dreg:$0x19];
	[sflag:s16] =	ssyncadd.s32 $0xFFFFF000  }
0x206: {  	[spmem:s7], [sflag:s8] =	dma.local [hbm:s25], $0x1000  }
0x207: {  	_ =	swait.ge [sflag:s6], $0x1000  }
0x208: {  	[sflag:s6] =	ssyncset.done $0x0  }
0x209: {  	s26 =	rddreg [dreg:$0x1a];
	[sflag:s6] =	ssyncadd.s32 $0xFFFFF000  }
0x20a: {  	[hbm:s26], [sflag:s9] =	dma.local [spmem:s5], $0x1000  }
0x20b: {  	_ =	swait.ge [sflag:s18], $0x1000  }
0x20c: {  	[sflag:s18] =	ssyncset.done $0x0  }
0x20d: {  	s28 =	rddreg [dreg:$0x1b];
	[sflag:s18] =	ssyncadd.s32 $0xFFFFF000  }
0x20e: {  	[spmem:s10], [sflag:s12] =	dma.local [hbm:s28], $0x1000  }
0x20f: {  	_ =	swait.ge [sflag:s11], $0x1000  }
0x210: {  	[sflag:s11] =	ssyncset.done $0x0  }
0x211: {  	s29 =	rddreg [dreg:$0x1c];
	[sflag:s11] =	ssyncadd.s32 $0xFFFFF000  }
0x212: {  	[hbm:s29], [sflag:s14] =	dma.local [spmem:s7], $0x1000  }
0x213: {  	_ =	swait.ge [sflag:s13], $0x1000  }
0x214: {  	[sflag:s13] =	ssyncset.done $0x0  }
0x215: {  	s30 =	rddreg [dreg:$0x1d];
	[sflag:s13] =	ssyncadd.s32 $0xFFFFF000  }
0x216: {  	[spmem:s5], [sflag:s3] =	dma.local [hbm:s30], $0x1000  }
0x217: {  	_ =	swait.ge [sflag:s15], $0x1000  }
0x218: {  	[sflag:s15] =	ssyncset.done $0x0  }
0x219: {  	s31 =	rddreg [dreg:$0x1e];
	[sflag:s15] =	ssyncadd.s32 $0xFFFFF000  }
0x21a: {  	[hbm:s31], [sflag:s17] =	dma.local [spmem:s10], $0x1000  }
0x21b: {  	_ =	swait.ge [sflag:s16], $0x1000  }
0x21c: {  	[sflag:s16] =	ssyncset.done $0x0  }
0x21d: {  	s24 =	rddreg [dreg:$0x1f];
	[sflag:s16] =	ssyncadd.s32 $0xFFFFF000  }
0x21e: {  	[spmem:s7], [sflag:s8] =	dma.local [hbm:s24], $0x1000  }
0x21f: {  	_ =	swait.ge [sflag:s6], $0x1000  }
0x220: {  	s25 =	sld [smem:$0x7D4]  }
0x221: {  	[sflag:s6] =	ssyncset.done $0x0  }
0x222: {  	[sflag:s6] =	ssyncadd.s32 $0xFFFFF000  }
0x223: {  	[hbm:s25], [sflag:s9] =	dma.local [spmem:s5], $0x1000  }
0x224: {  	_ =	swait.ge [sflag:s18], $0x1000  }
0x225: {  	s26 =	sld [smem:$0x7D5]  }
0x226: {  	[sflag:s18] =	ssyncset.done $0x0  }
0x227: {  	[sflag:s18] =	ssyncadd.s32 $0xFFFFF000  }
0x228: {  	[spmem:s10], [sflag:s12] =	dma.local [hbm:s26], $0x1000  }
0x229: {  	_ =	swait.ge [sflag:s11], $0x1000  }
0x22a: {  	s28 =	sld [smem:$0x7D6]  }
0x22b: {  	[sflag:s11] =	ssyncset.done $0x0  }
0x22c: {  	[sflag:s11] =	ssyncadd.s32 $0xFFFFF000  }
0x22d: {  	[hbm:s28], [sflag:s14] =	dma.local [spmem:s7], $0x1000  }
0x22e: {  	_ =	swait.ge [sflag:s13], $0x1000  }
0x22f: {  	s29 =	sld [smem:$0x7D7]  }
0x230: {  	[sflag:s13] =	ssyncset.done $0x0  }
0x231: {  	[sflag:s13] =	ssyncadd.s32 $0xFFFFF000  }
0x232: {  	[spmem:s5], [sflag:s3] =	dma.local [hbm:s29], $0x1000  }
0x233: {  	_ =	swait.ge [sflag:s15], $0x1000  }
0x234: {  	s30 =	sld [smem:$0x7D8]  }
0x235: {  	[sflag:s15] =	ssyncset.done $0x0  }
0x236: {  	[sflag:s15] =	ssyncadd.s32 $0xFFFFF000  }
0x237: {  	[hbm:s30], [sflag:s17] =	dma.local [spmem:s10], $0x1000  }
0x238: {  	_ =	swait.ge [sflag:s16], $0x1000  }
0x239: {  	s31 =	sld [smem:$0x7D9]  }
0x23a: {  	[sflag:s16] =	ssyncset.done $0x0  }
0x23b: {  	[sflag:s16] =	ssyncadd.s32 $0xFFFFF000  }
0x23c: {  	[spmem:s7], [sflag:s8] =	dma.local [hbm:s31], $0x1000  }
0x23d: {  	_ =	swait.ge [sflag:s6], $0x1000  }
0x23e: {  	s24 =	sld [smem:$0x7DA]  }
0x23f: {  	[sflag:s6] =	ssyncset.done $0x0  }
0x240: {  	[sflag:s6] =	ssyncadd.s32 $0xFFFFF000  }
0x241: {  	[hbm:s24], [sflag:s9] =	dma.local [spmem:s5], $0x1000  }
0x242: {  	_ =	swait.ge [sflag:s18], $0x1000  }
0x243: {  	s25 =	sld [smem:$0x7DB]  }
0x244: {  	[sflag:s18] =	ssyncset.done $0x0  }
0x245: {  	[sflag:s18] =	ssyncadd.s32 $0xFFFFF000  }
0x246: {  	[spmem:s10], [sflag:s12] =	dma.local [hbm:s25], $0x1000  }
0x247: {  	_ =	swait.ge [sflag:s11], $0x1000  }
0x248: {  	s26 =	sld [smem:$0x7DC]  }
0x249: {  	[sflag:s11] =	ssyncset.done $0x0  }
0x24a: {  	[sflag:s11] =	ssyncadd.s32 $0xFFFFF000  }
0x24b: {  	[hbm:s26], [sflag:s14] =	dma.local [spmem:s7], $0x1000  }
0x24c: {  	_ =	swait.ge [sflag:s13], $0x1000  }
0x24d: {  	s28 =	sld [smem:$0x7DD]  }
0x24e: {  	[sflag:s13] =	ssyncset.done $0x0  }
0x24f: {  	[sflag:s13] =	ssyncadd.s32 $0xFFFFF000  }
0x250: {  	[spmem:s5], [sflag:s3] =	dma.local [hbm:s28], $0x1000  }
0x251: {  	_ =	swait.ge [sflag:s15], $0x1000  }
0x252: {  	s29 =	sld [smem:$0x7DE]  }
0x253: {  	[sflag:s15] =	ssyncset.done $0x0  }
0x254: {  	[sflag:s15] =	ssyncadd.s32 $0xFFFFF000  }
0x255: {  	[hbm:s29], [sflag:s17] =	dma.local [spmem:s10], $0x1000  }
0x256: {  	_ =	swait.ge [sflag:s16], $0x1000  }
0x257: {  	s30 =	sld [smem:$0x7DF]  }
0x258: {  	[sflag:s16] =	ssyncset.done $0x0  }
0x259: {  	[sflag:s16] =	ssyncadd.s32 $0xFFFFF000  }
0x25a: {  	[spmem:s7], [sflag:s8] =	dma.local [hbm:s30], $0x1000  }
0x25b: {  	_ =	swait.ge [sflag:s6], $0x1000  }
0x25c: {  	s31 =	sld [smem:$0x7E0]  }
0x25d: {  	[sflag:s6] =	ssyncset.done $0x0  }
0x25e: {  	[sflag:s6] =	ssyncadd.s32 $0xFFFFF000  }
0x25f: {  	[hbm:s31], [sflag:s9] =	dma.local [spmem:s5], $0x1000  }
0x260: {  	_ =	swait.ge [sflag:s18], $0x1000  }
0x261: {  	s24 =	sld [smem:$0x7E1]  }
0x262: {  	[sflag:s18] =	ssyncset.done $0x0  }
0x263: {  	[sflag:s18] =	ssyncadd.s32 $0xFFFFF000  }
0x264: {  	[spmem:s10], [sflag:s12] =	dma.local [hbm:s24], $0x1000  }
0x265: {  	_ =	swait.ge [sflag:s11], $0x1000  }
0x266: {  	s25 =	sld [smem:$0x7E2]  }
0x267: {  	[sflag:s11] =	ssyncset.done $0x0  }
0x268: {  	[sflag:s11] =	ssyncadd.s32 $0xFFFFF000  }
0x269: {  	[hbm:s25], [sflag:s14] =	dma.local [spmem:s7], $0x1000  }
0x26a: {  	_ =	swait.ge [sflag:s13], $0x1000  }
0x26b: {  	s26 =	sld [smem:$0x7E3]  }
0x26c: {  	[sflag:s13] =	ssyncset.done $0x0  }
0x26d: {  	[sflag:s13] =	ssyncadd.s32 $0xFFFFF000  }
0x26e: {  	[spmem:s5], [sflag:s3] =	dma.local [hbm:s26], $0x1000  }
0x26f: {  	_ =	swait.ge [sflag:s15], $0x1000  }
0x270: {  	s28 =	sld [smem:$0x7E4]  }
0x271: {  	[sflag:s15] =	ssyncset.done $0x0  }
0x272: {  	[sflag:s15] =	ssyncadd.s32 $0xFFFFF000  }
0x273: {  	[hbm:s28], [sflag:s17] =	dma.local [spmem:s10], $0x1000  }
0x274: {  	_ =	swait.ge [sflag:s16], $0x1000  }
0x275: {  	s29 =	sld [smem:$0x7E5]  }
0x276: {  	[sflag:s16] =	ssyncset.done $0x0  }
0x277: {  	[sflag:s16] =	ssyncadd.s32 $0xFFFFF000  }
0x278: {  	[spmem:s7], [sflag:s8] =	dma.local [hbm:s29], $0x1000  }
0x279: {  	_ =	swait.ge [sflag:s6], $0x1000  }
0x27a: {  	s30 =	sld [smem:$0x7E6]  }
0x27b: {  	[sflag:s6] =	ssyncset.done $0x0  }
0x27c: {  	[sflag:s6] =	ssyncadd.s32 $0xFFFFF000  }
0x27d: {  	[hbm:s30], [sflag:s9] =	dma.local [spmem:s5], $0x1000  }
0x27e: {  	_ =	swait.ge [sflag:s18], $0x1000  }
0x27f: {  	s31 =	sld [smem:$0x7E7]  }
0x280: {  	[sflag:s18] =	ssyncset.done $0x0  }
0x281: {  	[sflag:s18] =	ssyncadd.s32 $0xFFFFF000  }
0x282: {  	[spmem:s10], [sflag:s12] =	dma.local [hbm:s31], $0x1000  }
0x283: {  	_ =	swait.ge [sflag:s11], $0x1000  }
0x284: {  	s24 =	sld [smem:$0x7E8]  }
0x285: {  	[sflag:s11] =	ssyncset.done $0x0  }
0x286: {  	[sflag:s11] =	ssyncadd.s32 $0xFFFFF000  }
0x287: {  	[hbm:s24], [sflag:s14] =	dma.local [spmem:s7], $0x1000  }
0x288: {  	_ =	swait.ge [sflag:s13], $0x1000  }
0x289: {  	s25 =	sld [smem:$0x7E9]  }
0x28a: {  	[sflag:s13] =	ssyncset.done $0x0  }
0x28b: {  	[sflag:s13] =	ssyncadd.s32 $0xFFFFF000  }
0x28c: {  	[spmem:s5], [sflag:s3] =	dma.local [hbm:s25], $0x1000  }
0x28d: {  	_ =	swait.ge [sflag:s15], $0x1000  }
0x28e: {  	s26 =	sld [smem:$0x7EA]  }
0x28f: {  	[sflag:s15] =	ssyncset.done $0x0  }
0x290: {  	[sflag:s15] =	ssyncadd.s32 $0xFFFFF000  }
0x291: {  	[hbm:s26], [sflag:s17] =	dma.local [spmem:s10], $0x1000  }
0x292: {  	_ =	swait.ge [sflag:s16], $0x1000  }
0x293: {  	s28 =	sld [smem:$0x7EB]  }
0x294: {  	[sflag:s16] =	ssyncset.done $0x0  }
0x295: {  	[sflag:s16] =	ssyncadd.s32 $0xFFFFF000  }
0x296: {  	[spmem:s7], [sflag:s8] =	dma.local [hbm:s28], $0x1000  }
0x297: {  	_ =	swait.ge [sflag:s6], $0x1000  }
0x298: {  	s29 =	sld [smem:$0x7EC]  }
0x299: {  	[sflag:s6] =	ssyncset.done $0x0  }
0x29a: {  	[sflag:s6] =	ssyncadd.s32 $0xFFFFF000  }
0x29b: {  	[hbm:s29], [sflag:s9] =	dma.local [spmem:s5], $0x1000  }
0x29c: {  	_ =	swait.ge [sflag:s18], $0x1000  }
0x29d: {  	s30 =	sld [smem:$0x7ED]  }
0x29e: {  	[sflag:s18] =	ssyncset.done $0x0  }
0x29f: {  	[sflag:s18] =	ssyncadd.s32 $0xFFFFF000  }
0x2a0: {  	[spmem:s10], [sflag:s12] =	dma.local [hbm:s30], $0x1000  }
0x2a1: {  	_ =	swait.ge [sflag:s11], $0x1000  }
0x2a2: {  	s31 =	sld [smem:$0x7EE]  }
0x2a3: {  	[sflag:s11] =	ssyncset.done $0x0  }
0x2a4: {  	[sflag:s11] =	ssyncadd.s32 $0xFFFFF000  }
0x2a5: {  	[hbm:s31], [sflag:s14] =	dma.local [spmem:s7], $0x1000  }
0x2a6: {  	_ =	swait.ge [sflag:s13], $0x1000  }
0x2a7: {  	s24 =	sld [smem:$0x7EF]  }
0x2a8: {  	[sflag:s13] =	ssyncset.done $0x0  }
0x2a9: {  	[sflag:s13] =	ssyncadd.s32 $0xFFFFF000  }
0x2aa: {  	[spmem:s5], [sflag:s3] =	dma.local [hbm:s24], $0x1000  }
0x2ab: {  	_ =	swait.ge [sflag:s15], $0x1000  }
0x2ac: {  	s25 =	sld [smem:$0x7F0]  }
0x2ad: {  	[sflag:s15] =	ssyncset.done $0x0  }
0x2ae: {  	[sflag:s15] =	ssyncadd.s32 $0xFFFFF000  }
0x2af: {  	[hbm:s25], [sflag:s17] =	dma.local [spmem:s10], $0x1000  }
0x2b0: {  	_ =	swait.ge [sflag:s16], $0x1000  }
0x2b1: {  	s26 =	sld [smem:$0x7F1]  }
0x2b2: {  	[sflag:s16] =	ssyncset.done $0x0  }
0x2b3: {  	[sflag:s16] =	ssyncadd.s32 $0xFFFFF000  }
0x2b4: {  	[spmem:s7], [sflag:s8] =	dma.local [hbm:s26], $0x1000  }
0x2b5: {  	_ =	swait.ge [sflag:s6], $0x1000  }
0x2b6: {  	s28 =	sld [smem:$0x7F2]  }
0x2b7: {  	[sflag:s6] =	ssyncset.done $0x0  }
0x2b8: {  	[sflag:s6] =	ssyncadd.s32 $0xFFFFF000  }
0x2b9: {  	[hbm:s28], [sflag:s9] =	dma.local [spmem:s5], $0x1000  }
0x2ba: {  	_ =	swait.ge [sflag:s18], $0x1000  }
0x2bb: {  	s29 =	sld [smem:$0x7F3]  }
0x2bc: {  	[sflag:s18] =	ssyncset.done $0x0  }
0x2bd: {  	[sflag:s18] =	ssyncadd.s32 $0xFFFFF000  }
0x2be: {  	[spmem:s10], [sflag:s12] =	dma.local [hbm:s29], $0x1000  }
0x2bf: {  	_ =	swait.ge [sflag:s11], $0x1000  }
0x2c0: {  	s30 =	sld [smem:$0x7F4]  }
0x2c1: {  	[sflag:s11] =	ssyncset.done $0x0  }
0x2c2: {  	[sflag:s11] =	ssyncadd.s32 $0xFFFFF000  }
0x2c3: {  	[hbm:s30], [sflag:s14] =	dma.local [spmem:s7], $0x1000  }
0x2c4: {  	_ =	swait.ge [sflag:s13], $0x1000  }
0x2c5: {  	s31 =	sld [smem:$0x7F5]  }
0x2c6: {  	[sflag:s13] =	ssyncset.done $0x0  }
0x2c7: {  	[sflag:s13] =	ssyncadd.s32 $0xFFFFF000  }
0x2c8: {  	[spmem:s5], [sflag:s3] =	dma.local [hbm:s31], $0x1000  }
0x2c9: {  	_ =	swait.ge [sflag:s15], $0x1000  }
0x2ca: {  	s24 =	sld [smem:$0x7F6]  }
0x2cb: {  	[sflag:s15] =	ssyncset.done $0x0  }
0x2cc: {  	[sflag:s15] =	ssyncadd.s32 $0xFFFFF000  }
0x2cd: {  	[hbm:s24], [sflag:s17] =	dma.local [spmem:s10], $0x1000  }
0x2ce: {  	_ =	swait.ge [sflag:s16], $0x1000  }
0x2cf: {  	s25 =	sld [smem:$0x7F7]  }
0x2d0: {  	[sflag:s16] =	ssyncset.done $0x0  }
0x2d1: {  	[sflag:s16] =	ssyncadd.s32 $0xFFFFF000  }
0x2d2: {  	[spmem:s7], [sflag:s8] =	dma.local [hbm:s25], $0x1000  }
0x2d3: {  	_ =	swait.ge [sflag:s6], $0x1000  }
0x2d4: {  	s26 =	sld [smem:$0x7F8]  }
0x2d5: {  	[sflag:s6] =	ssyncset.done $0x0  }
0x2d6: {  	[sflag:s6] =	ssyncadd.s32 $0xFFFFF000  }
0x2d7: {  	[hbm:s26], [sflag:s9] =	dma.local [spmem:s5], $0x1000  }
0x2d8: {  	_ =	swait.ge [sflag:s11], $0x1000  }
0x2d9: {  	s28 =	sld [smem:$0x7F9]  }
0x2da: {  	[sflag:s11] =	ssyncset.done $0x0  }
0x2db: {  	[sflag:s11] =	ssyncadd.s32 $0xFFFFF000  }
0x2dc: {  	[hbm:s28], [sflag:s14] =	dma.local [spmem:s7], $0x1000  }
0x2dd: {  	_ =	swait.ge [sflag:s13], $0x1000  }
0x2de: {  	[sflag:s13] =	ssyncset.done $0x0  }
0x2df: {  	[sflag:s13] =	ssyncadd.s32 $0xFFFFF000  }
0x2e0: {  	_ =	swait.ge [sflag:s16], $0x1000  }
0x2e1: {  	[sflag:s16] =	ssyncset.done $0x0  }
0x2e2: {  	[sflag:s16] =	ssyncadd.s32 $0xFFFFF000  }
0x2e3: {  	_ =	swait.ge [sflag:s18], $0x1000  }
0x2e4: {  	[sflag:s18] =	ssyncset.done $0x0  }
0x2e5: {  	[sflag:s18] =	ssyncadd.s32 $0xFFFFF000  }
0x2e6: {  	_ =	swait.ge [sflag:s19], $0x6680  }
0x2e7: {  	s23 =	sld [smem:$0x7FF];
	_ =	sdelay $0x2  }
0x2e8: {  	p2 =	sne.s32 @!p0 s23, $0x1  }
0x2e9: {  	[sflag:s19] =	ssyncset.done $0x0;
	p2 =	por !p2, p0  }
0x2ea: {  	[sflag:s19] =	ssyncadd.s32 $0xFFFF9980;
	s23 =	sor.u32 @!p2 $0x100000, s20  }
0x2eb: {  	[smem:s23], [sflag:$0x0] =	smem.add.s32 @!p2 $0x14E;
	s23 =	simm.s32 @!p2 $0x0  }
0x2ec: {  	s24 =	simm.s32 @!p2 $0x1;
	_ =	swait.done @!p2 [sflag:s23]  }
0x2ed: {  	[smem:$0x7FF] =	sst @!p2 s24  }
0x2ee: {  	_ =	sint @!p2 $0x2  }
0x2ef: {  	_ =	swait.notdone @!p2 [sflag:s23]  }
0x2f0: {  	s23 =	sld [smem:$0x7FF]  }
0x2f1: {  	s29 =	sld [smem:$0x7FA];
	_ =	sdelay $0x1  }
0x2f2: {  	p2 =	sne.s32 @!p0 s23, $0x1  }
0x2f3: {  	[hbm4b:s29+s2] =	stream.linear.scatter [tilespmem:s4], [sflag:$0x8], $0x6680, $0x38;
	[tilespmem:$0x1E680] =	vst v63  }
0x2f4: {  	p2 =	por !p2, p0  }
0x2f5: {  	s23 =	sor.u32 @!p2 $0x100000, s20  }
0x2f6: {  	[smem:s23], [sflag:$0x0] =	smem.add.s32 @!p2 $0x152;
	s23 =	simm.s32 @!p2 $0x0  }
0x2f7: {  	s25 =	simm.s32 @!p2 $0x1;
	_ =	swait.done @!p2 [sflag:s23]  }
0x2f8: {  	[smem:$0x7FF] =	sst @!p2 s25  }
0x2f9: {  	_ =	sint @!p2 $0x2  }
0x2fa: {  	_ =	swait.notdone @!p2 [sflag:s23]  }
0x2fb: {  	s23 =	sld [smem:$0x7FF]  }
0x2fc: {  	s30 =	sld [smem:$0x7FB];
	_ =	sdelay $0x1  }
0x2fd: {  	p2 =	sne.s32 @!p0 s23, $0x1  }
0x2fe: {  	[hbm4b:s30+s2] =	stream.linear.scatter [tilespmem:s4], [sflag:$0x8], $0x6680, $0x38;
	[tilespmem:$0x1E680] =	vst v63  }
0x2ff: {  	p2 =	por !p2, p0  }
0x300: {  	s23 =	sor.u32 @!p2 $0x100000, s20  }
0x301: {  	[smem:s23], [sflag:$0x0] =	smem.add.s32 @!p2 $0x156;
	s23 =	simm.s32 @!p2 $0x0  }
0x302: {  	s25 =	simm.s32 @!p2 $0x1;
	_ =	swait.done @!p2 [sflag:s23]  }
0x303: {  	[smem:$0x7FF] =	sst @!p2 s25  }
0x304: {  	_ =	sint @!p2 $0x2  }
0x305: {  	_ =	swait.notdone @!p2 [sflag:s23]  }
0x306: {  	s23 =	sld [smem:$0x7FF]  }
0x307: {  	s31 =	sld [smem:$0x7FC];
	_ =	sdelay $0x1  }
0x308: {  	p2 =	sne.s32 @!p0 s23, $0x1  }
0x309: {  	[hbm4b:s31+s2] =	stream.linear.scatter [tilespmem:s4], [sflag:$0x8], $0x6680, $0x38;
	[tilespmem:$0x1E680] =	vst v63  }
0x30a: {  	p2 =	por !p2, p0  }
0x30b: {  	s23 =	sor.u32 @!p2 $0x100000, s20  }
0x30c: {  	[smem:s23], [sflag:$0x0] =	smem.add.s32 @!p2 $0x15A;
	s23 =	simm.s32 @!p2 $0x0  }
0x30d: {  	s25 =	simm.s32 @!p2 $0x1;
	_ =	swait.done @!p2 [sflag:s23]  }
0x30e: {  	[smem:$0x7FF] =	sst @!p2 s25  }
0x30f: {  	_ =	sint @!p2 $0x2  }
0x310: {  	_ =	swait.notdone @!p2 [sflag:s23]  }
0x311: {  	s23 =	sld [smem:$0x7FD];
	_ =	sdelay $0x2  }
0x312: {  	[hbm4b:s23+s2] =	stream.linear.scatter [tilespmem:s4], [sflag:$0x8], $0x6680, $0x38;
	[tilespmem:$0x1E680] =	vst v63  }
0x313: {  	_ =	swait.ge [sflag:s21], $0x6680  }
0x314: {  	s22 =	sadd.s32 $0xFFFFFFFF, s22;
	[sflag:s21] =	ssyncset.done $0x0  }
0x315: {  	p1 =	sne.s32 s22, $0x0;
	[sflag:s21] =	ssyncadd.s32 $0xFFFF9980  }
.Ltmp1:
0x316: {  	_ =	swait.ge [sflag:s21], $0x6680;
	(pc) =	sbr.rel @p1 .LBB2_1-.Ltmp1, $4  }
0x317: {  	[sflag:s21] =	ssyncset.done $0x0  }
0x318: {  	[sflag:s21] =	ssyncadd.s32 $0xFFFF9980  }
0x319: {  	_ =	swait.ge [sflag:s21], $0x6680  }
0x31a: {  	[sflag:s21] =	ssyncset.done $0x0  }
.LBB2_2:
0x31b: {  	[sflag:s21] =	ssyncadd.s32 $0xFFFF9980  }
0x31c: {  	_ =	swait.ge [sflag:s21], $0x6680  }
0x31d: {  	[sflag:s21] =	ssyncset.done $0x0  }
0x31e: {  	[sflag:s21] =	ssyncadd.s32 $0xFFFF9980  }
0x31f: {  	_ =	sfence.sel $0x180000  }
0x320: {  	[bflag:$0x0] =	sbarrier.arrive $0xFFFF  }
0x321: {  	p0 =	sne.s32 s0, $0x0;
	_ =	strace $0x90000047  }
0x322: {  	s0 =	sadd.s32 @!p0 $0x100000, s1;
	[bflag:$0x2] =	sbarrier.arrive $0xFFFF  }
0x323: {  	[sflag:s0] =	ssyncadd.tile.s32 @!p0 $0x1;
	_ =	shalt  }
.Lfunc_end2:
_tile_overlayer_lowered:
.L_overlay_start_2:
0x324: {  	(tag) =	ssettag $0x2  }
0x325: {  	s0 =	rddreg [dreg:$0x0];
	s2 =	stileid.u32  }
0x326: {  	s1 =	rddreg [dreg:$0x1];
	p0 =	sne.s32 s2, $0x0  }
0x327: {  	s3 =	rddreg [dreg:$0x2];
	[bflag:$0x3] =	sbarrier.arrive $0xFFFF;
	s2 =	simm.s32 @!p0 $0x1C09  }
0x328: {  	[timem:s3], [sflag:s2] =	dma.local @!p0 [hbm:s0], s1  }
0x329: {  	s0 =	simm.s32 @!p0 $0x9  }
0x32a: {  	_ =	swait.ge @!p0 [sflag:s0], s1  }
0x32b: {  	s1 =	ssub.s32 @!p0 $0x0, s1;
	[sflag:s0] =	ssyncset.done @!p0 $0x0  }
0x32c: {  	[sflag:s0] =	ssyncadd.s32 @!p0 s1  }
0x32d: {  	[bflag:$0x3] =	sbarrier.arrive $0xFFFF  }
0x32e: {  	_ =	shalt  }

</sc_bundles>
